<compile_context>
chip_gen: v7x
topology: tpu7x:2x2x1
jax: 0.10.2.dev20260603
libtpu: 0.0.44.dev20260713+nightly
codegen_flags: <defaults>
</compile_context>

<pallas_src>
import functools

import jax
import jax.numpy as jnp
from jax import lax
from jax.experimental import pallas as pl
from jax.experimental.pallas import tpu as pltpu
from jax.experimental.pallas import tpu_sc as plsc

S = 2048
H = 1024
I = 384
NS = 2
E = 8
TM = 512
NT_R = 16
CAP = NT_R * TM
NT_S = S // TM
G = NT_R + NS * NT_S
TPW = S // 32

C_XS = 0
C_SW = 1
C_KIND = 2
C_RW = 3
C_SH = 4



def _route_body(x_ref, rw_ref, rb_ref,
                pos1_ref, pos2_ref, w1_ref, w2_ref, usage_ref, sched_ref):
    x = x_ref[...]
    logits = lax.dot_general(x, rw_ref[...], (((1,), (1,)), ((), ())),
                             preferred_element_type=jnp.float32)
    logits = logits + rb_ref[...]
    sig = jax.nn.sigmoid(logits)
    col = lax.broadcasted_iota(jnp.int32, (S, E), 1)
    m1 = jnp.max(sig, axis=1, keepdims=True)
    i1 = jnp.min(jnp.where(sig == m1, col, E), axis=1, keepdims=True)
    sig2 = jnp.where(col == i1, -jnp.inf, sig)
    m2 = jnp.max(sig2, axis=1, keepdims=True)
    i2 = jnp.min(jnp.where(sig2 == m2, col, E), axis=1, keepdims=True)
    denom = m1 + m2
    w1_ref[...] = m1 / denom
    w2_ref[...] = m2 / denom

    cnt = ((col == i1) | (col == i2)).astype(jnp.float32)
    r_i = lax.broadcasted_iota(jnp.int32, (S, S), 0)
    c_i = lax.broadcasted_iota(jnp.int32, (S, S), 1)
    ltri = (c_i < r_i).astype(jnp.bfloat16)
    excl = lax.dot_general(ltri, cnt.astype(jnp.bfloat16),
                           (((1,), (0,)), ((), ())),
                           preferred_element_type=jnp.float32)
    counts = jnp.sum(cnt, axis=0, keepdims=True)

    ucol = lax.broadcasted_iota(jnp.int32, (S, 128), 1)
    oh = ((ucol == i1) | (ucol == i2)).astype(jnp.float32)
    usage_ref[...] = jnp.sum(oh, axis=0, keepdims=True)

    cnt_i = counts.astype(jnp.int32)
    ptiles = (cnt_i + (TM - 1)) // TM
    e_ut = (lax.broadcasted_iota(jnp.int32, (E, E), 0)
            < lax.broadcasted_iota(jnp.int32, (E, E), 1)).astype(jnp.float32)
    base_tiles = lax.dot_general(
        ptiles.astype(jnp.float32), e_ut, (((1,), (0,)), ((), ())),
        preferred_element_type=jnp.float32).astype(jnp.int32)
    base_rows = base_tiles * TM
    total_tiles = jnp.sum(ptiles)

    b1 = jnp.sum(jnp.where(col == i1, jnp.broadcast_to(base_rows, (S, E)), 0),
                 axis=1, keepdims=True)
    b2 = jnp.sum(jnp.where(col == i2, jnp.broadcast_to(base_rows, (S, E)), 0),
                 axis=1, keepdims=True)
    x1 = jnp.sum(jnp.where(col == i1, excl, 0.0), axis=1, keepdims=True)
    x2 = jnp.sum(jnp.where(col == i2, excl, 0.0), axis=1, keepdims=True)
    pos1_ref[...] = b1 + x1.astype(jnp.int32)
    pos2_ref[...] = b2 + x2.astype(jnp.int32)

    ii = lax.broadcasted_iota(jnp.int32, (G, 1), 0)
    iie = lax.broadcasted_iota(jnp.int32, (G, E), 1)
    sel = ((lax.broadcasted_iota(jnp.int32, (G, 1), 0)
            >= jnp.broadcast_to(base_tiles, (G, E)))
           & (lax.broadcasted_iota(jnp.int32, (G, 1), 0)
              < jnp.broadcast_to(base_tiles + ptiles, (G, E))))
    w_routed = jnp.sum(jnp.where(sel, iie, 0), axis=1, keepdims=True)
    lastw = jnp.max(jnp.where(ptiles > 0,
                              lax.broadcasted_iota(jnp.int32, (1, E), 1), 0))
    is_sh = ii >= NT_R
    jj = ii - NT_R
    a_xs = jnp.minimum(ii, total_tiles - 1)
    a_xs = jnp.where(is_sh, total_tiles - 1, a_xs)
    a_sw = jnp.where(is_sh, jj % NS, 0)
    a_kind = jnp.where(is_sh, 2, jnp.where(ii < total_tiles, 1, 0))
    a_rw = jnp.where(is_sh | (ii >= total_tiles), lastw, w_routed)
    a_sh = jnp.where(is_sh, jj // NS, 0)
    sched_ref[:, C_XS:C_XS + 1] = a_xs
    sched_ref[:, C_SW:C_SW + 1] = a_sw
    sched_ref[:, C_KIND:C_KIND + 1] = a_kind
    sched_ref[:, C_RW:C_RW + 1] = a_rw
    sched_ref[:, C_SH:C_SH + 1] = a_sh
    sched_ref[:, 5:8] = jnp.zeros((G, 3), jnp.int32)


def _route(x2d, rw, rb):
    return pl.pallas_call(
        _route_body,
        grid=(1,),
        in_specs=[
            pl.BlockSpec((S, H), lambda i: (0, 0)),
            pl.BlockSpec((E, H), lambda i: (0, 0)),
            pl.BlockSpec((1, E), lambda i: (0, 0)),
        ],
        out_specs=[
            pl.BlockSpec((S, 1), lambda i: (0, 0)),
            pl.BlockSpec((S, 1), lambda i: (0, 0)),
            pl.BlockSpec((S, 1), lambda i: (0, 0)),
            pl.BlockSpec((S, 1), lambda i: (0, 0)),
            pl.BlockSpec((1, 128), lambda i: (0, 0)),
            pl.BlockSpec((G, 8), lambda i: (0, 0)),
        ],
        out_shape=[
            jax.ShapeDtypeStruct((S, 1), jnp.int32),
            jax.ShapeDtypeStruct((S, 1), jnp.int32),
            jax.ShapeDtypeStruct((S, 1), jnp.float32),
            jax.ShapeDtypeStruct((S, 1), jnp.float32),
            jax.ShapeDtypeStruct((1, 128), jnp.float32),
            jax.ShapeDtypeStruct((G, 8), jnp.int32),
        ],
    )(x2d, rw, rb)



@functools.lru_cache(maxsize=None)
def _make_dispatch():
    mesh = plsc.VectorSubcoreMesh(core_axis_name="c", subcore_axis_name="s")

    @functools.partial(
        pl.kernel,
        out_type=jax.ShapeDtypeStruct((CAP, H), jnp.float32),
        mesh=mesh,
        scratch_types=[
            pltpu.VMEM((TPW, H), jnp.float32),
            pltpu.VMEM((TPW,), jnp.int32),
            pltpu.VMEM((TPW,), jnp.int32),
            pltpu.SemaphoreType.DMA,
            pltpu.SemaphoreType.DMA,
        ],
    )
    def _dispatch(x_hbm, pos1_hbm, pos2_hbm, xs_hbm, xin_v, p1_v, p2_v, s1, s2):
        wid = lax.axis_index("s") * 2 + lax.axis_index("c")
        base = wid * TPW
        pltpu.sync_copy(x_hbm.at[pl.ds(base, TPW)], xin_v)
        pltpu.sync_copy(pos1_hbm.at[pl.ds(base, TPW)], p1_v)
        pltpu.sync_copy(pos2_hbm.at[pl.ds(base, TPW)], p2_v)
        c1 = pltpu.async_copy(xin_v, xs_hbm.at[p1_v], s1)
        c2 = pltpu.async_copy(xin_v, xs_hbm.at[p2_v], s2)
        c1.wait()
        c2.wait()

    return _dispatch



def _ffn(xt, g_ref, u_ref, d_ref):
    g = g_ref[0].astype(jnp.bfloat16)
    u = u_ref[0].astype(jnp.bfloat16)
    d = d_ref[0].astype(jnp.bfloat16)
    gx = lax.dot_general(xt, g, (((1,), (1,)), ((), ())),
                         preferred_element_type=jnp.float32)
    ux = lax.dot_general(xt, u, (((1,), (1,)), ((), ())),
                         preferred_element_type=jnp.float32)
    hb = ((gx * jax.nn.sigmoid(gx)) * ux).astype(jnp.bfloat16)
    return lax.dot_general(hb, d, (((1,), (1,)), ((), ())),
                           preferred_element_type=jnp.float32)


def _gmm_body(sched_ref, xs_ref, rg_ref, ru_ref, rd_ref, rt_ref):
    i = pl.program_id(0)

    @pl.when(sched_ref[i, C_KIND] == 1)
    def _routed():
        xt = xs_ref[...].astype(jnp.bfloat16)
        rt_ref[...] = _ffn(xt, rg_ref, ru_ref, rd_ref)


def _gmm(sched, xs, rg, ru, rd):
    grid_spec = pltpu.PrefetchScalarGridSpec(
        num_scalar_prefetch=1,
        grid=(NT_R,),
        in_specs=[
            pl.BlockSpec((TM, H), lambda i, sc: (sc[i, C_XS], 0)),
            pl.BlockSpec((1, I, H), lambda i, sc: (sc[i, C_RW], 0, 0)),
            pl.BlockSpec((1, I, H), lambda i, sc: (sc[i, C_RW], 0, 0)),
            pl.BlockSpec((1, H, I), lambda i, sc: (sc[i, C_RW], 0, 0)),
        ],
        out_specs=[
            pl.BlockSpec((TM, H), lambda i, sc: (sc[i, C_XS], 0)),
        ],
    )
    return pl.pallas_call(
        _gmm_body,
        grid_spec=grid_spec,
        out_shape=[
            jax.ShapeDtypeStruct((CAP, H), jnp.float32),
        ],
    )(sched, xs, rg, ru, rd)[0]


def _shared_body(x_ref, sg_ref, su_ref, sd_ref, sh_ref, acc_ref):
    e = pl.program_id(0)
    t = pl.program_id(1)
    xt = x_ref[...].astype(jnp.bfloat16)
    contrib = _ffn(xt, sg_ref, su_ref, sd_ref)

    @pl.when(e == 0)
    def _():
        acc_ref[pl.ds(t * TM, TM), :] = contrib

    @pl.when(e == NS - 1)
    def _():
        sh_ref[...] = (acc_ref[pl.ds(t * TM, TM), :]
                       + contrib).astype(jnp.bfloat16)


def _shared_ffn(x2d, sg, su, sd):
    return pl.pallas_call(
        _shared_body,
        grid=(NS, NT_S),
        in_specs=[
            pl.BlockSpec((TM, H), lambda e, t: (t, 0)),
            pl.BlockSpec((1, I, H), lambda e, t: (e, 0, 0)),
            pl.BlockSpec((1, I, H), lambda e, t: (e, 0, 0)),
            pl.BlockSpec((1, H, I), lambda e, t: (e, 0, 0)),
        ],
        out_specs=pl.BlockSpec(
            (TM, H), lambda e, t: (jnp.where(e == NS - 1, t, 0), 0)),
        out_shape=jax.ShapeDtypeStruct((S, H), jnp.bfloat16),
        scratch_shapes=[pltpu.VMEM((S, H), jnp.float32)],
    )(x2d, sg, su, sd)



@functools.lru_cache(maxsize=None)
def _make_unsort():
    mesh = plsc.VectorSubcoreMesh(core_axis_name="c", subcore_axis_name="s")

    CH = TPW // 2

    @functools.partial(
        pl.kernel,
        out_type=[
            jax.ShapeDtypeStruct((S, H), jnp.float32),
            jax.ShapeDtypeStruct((S, H), jnp.float32),
        ],
        mesh=mesh,
        scratch_types=[
            pltpu.VMEM((CH, H), jnp.float32),
            pltpu.VMEM((CH, H), jnp.float32),
            pltpu.VMEM((TPW,), jnp.int32),
            pltpu.VMEM((TPW,), jnp.int32),
            pltpu.SemaphoreType.DMA,
            pltpu.SemaphoreType.DMA,
            pltpu.SemaphoreType.DMA,
            pltpu.SemaphoreType.DMA,
        ],
    )
    def _unsort(rt_hbm, pos1_hbm, pos2_hbm, u1_hbm, u2_hbm,
                r1, r2, i1, i2, s1, s2, s3, s4):
        wid = lax.axis_index("s") * 2 + lax.axis_index("c")
        base = wid * TPW
        pltpu.sync_copy(pos1_hbm.at[pl.ds(base, TPW)], i1)
        pltpu.sync_copy(pos2_hbm.at[pl.ds(base, TPW)], i2)
        for c in range(2):
            off = base + c * CH
            g1 = pltpu.async_copy(rt_hbm.at[i1.at[pl.ds(c * CH, CH)]], r1, s1)
            g2 = pltpu.async_copy(rt_hbm.at[i2.at[pl.ds(c * CH, CH)]], r2, s2)
            g1.wait()
            g2.wait()
            w1 = pltpu.async_copy(r1, u1_hbm.at[pl.ds(off, CH)], s3)
            w2 = pltpu.async_copy(r2, u2_hbm.at[pl.ds(off, CH)], s4)
            w1.wait()
            w2.wait()

    return _unsort



def _combine_body(sh_ref, u1_ref, u2_ref, w1_ref, w2_ref, out_ref):
    out_ref[...] = (sh_ref[...].astype(jnp.float32)
                    + w1_ref[...] * u1_ref[...]
                    + w2_ref[...] * u2_ref[...])


def _combine(sh, u1, u2, w1, w2):
    return pl.pallas_call(
        _combine_body,
        grid=(NT_S,),
        in_specs=[
            pl.BlockSpec((TM, H), lambda t: (t, 0)),
            pl.BlockSpec((TM, H), lambda t: (t, 0)),
            pl.BlockSpec((TM, H), lambda t: (t, 0)),
            pl.BlockSpec((TM, 1), lambda t: (t, 0)),
            pl.BlockSpec((TM, 1), lambda t: (t, 0)),
        ],
        out_specs=pl.BlockSpec((TM, H), lambda t: (t, 0)),
        out_shape=jax.ShapeDtypeStruct((S, H), jnp.float32),
    )(sh, u1, u2, w1, w2)



def kernel(x, shared_gate, shared_up, shared_down, routed_gate, routed_up,
           routed_down, router_w, router_bias):
    x2d = x.reshape(S, H)
    rb = router_bias.reshape(1, E)

    pos1, pos2, w1, w2, usage, sched = _route(x2d, router_w, rb)
    p1 = pos1.reshape(S)
    p2 = pos2.reshape(S)
    xs = _make_dispatch()(x2d, p1, p2)
    sh = _shared_ffn(x2d, shared_gate, shared_up, shared_down)
    rt = _gmm(sched, xs, routed_gate, routed_up, routed_down)
    u1, u2 = _make_unsort()(rt, p1, p2)
    out = _combine(sh, u1, u2, w1, w2)
    return out.reshape(x.shape), usage[0, :E]

# --- scband reference (transcript-rebuilt; emitter-appended) ---
"""Pipeline reference for scband-deep-seek-mo-e-11785390260703 (READ-ONLY COPY).

The authoritative reference and input builder live on the scoring server;
editing this copy changes nothing except your own understanding.
"""

import jax, jax.numpy as jnp
import numpy as np

B, S, H = 1, 2048, 1024
I = 384
NS = 2
E = 8
K = 2


def _expert(x, gw, uw, dw):
    return (jax.nn.silu(x @ gw.T) * (x @ uw.T)) @ dw.T


def setup_inputs(seed: int = 0):
    key = jax.random.key(seed)
    ks = jax.random.split(key, 9)
    x = jax.random.normal(ks[0], (B, S, H), dtype=jnp.float32)
    shared_gate = jax.random.normal(ks[1], (NS, I, H), dtype=jnp.float32) * 0.02
    shared_up = jax.random.normal(ks[2], (NS, I, H), dtype=jnp.float32) * 0.02
    shared_down = jax.random.normal(ks[3], (NS, H, I), dtype=jnp.float32) * 0.02
    routed_gate = jax.random.normal(ks[4], (E, I, H), dtype=jnp.float32) * 0.02
    routed_up = jax.random.normal(ks[5], (E, I, H), dtype=jnp.float32) * 0.02
    routed_down = jax.random.normal(ks[6], (E, H, I), dtype=jnp.float32) * 0.02
    router_w = jax.random.normal(ks[7], (E, H), dtype=jnp.float32) * 0.02
    router_bias = jnp.zeros((E,), dtype=jnp.float32)
    return {"x": x, "shared_gate": shared_gate, "shared_up": shared_up, "shared_down": shared_down,
            "routed_gate": routed_gate, "routed_up": routed_up, "routed_down": routed_down,
            "router_w": router_w, "router_bias": router_bias}


def reference(x, shared_gate, shared_up, shared_down, routed_gate, routed_up, routed_down, router_w, router_bias):
    bsz, seq_len, hidden = x.shape
    x_flat = x.reshape(-1, hidden)
    shared_out = jnp.zeros_like(x)
    for i in range(shared_gate.shape[0]):
        shared_out = shared_out + _expert(x, shared_gate[i], shared_up[i], shared_down[i])
    router_logits = x @ router_w.T
    rl_flat = router_logits.reshape(-1, router_w.shape[0])
    biased = rl_flat + router_bias
    sig = jax.nn.sigmoid(biased)
    topk_w, topk_i = jax.lax.top_k(sig, K)
    topk_w = topk_w / jnp.sum(topk_w, axis=-1, keepdims=True)
    final = jnp.zeros_like(x_flat)
    usage = []
    for e in range(routed_gate.shape[0]):
        usage.append(jnp.sum(jnp.any(topk_i == e, axis=-1).astype(jnp.float32)))
        out_e = _expert(x_flat, routed_gate[e], routed_up[e], routed_down[e])
        scale = jnp.sum(topk_w * (topk_i == e).astype(jnp.float32), axis=-1, keepdims=True)
        final = final + out_e * scale
    expert_usage = jnp.stack(usage)
    return shared_out + final.reshape(bsz, seq_len, -1), expert_usage

if __name__ == "__main__":
    import jax
    _d = setup_inputs()
    print(jax.jit(kernel)(*tuple(_d.values())))

</pallas_src>

<mosaic_0001>
#map = affine_map<(d0, d1) -> (0, 0)>
#map1 = affine_map<(d0, d1) -> (0)>
module attributes {stable_mosaic.version = 14 : i64} {
  func.func @_unsort(%arg0: i32, %arg1: i32, %arg2: memref<8192x1024xf32, #tpu.memory_space<hbm>>, %arg3: memref<2048xi32, #tpu.memory_space<hbm>>, %arg4: memref<2048xi32, #tpu.memory_space<hbm>>, %arg5: memref<2048x1024xf32, #tpu.memory_space<hbm>>, %arg6: memref<2048x1024xf32, #tpu.memory_space<hbm>>, %arg7: memref<32x1024xf32, #tpu.memory_space<vmem>>, %arg8: memref<32x1024xf32, #tpu.memory_space<vmem>>, %arg9: memref<64xi32, #tpu.memory_space<vmem>>, %arg10: memref<64xi32, #tpu.memory_space<vmem>>, %arg11: memref<!tpu.dma_semaphore, #tpu.memory_space<semaphore_mem>>, %arg12: memref<!tpu.dma_semaphore, #tpu.memory_space<semaphore_mem>>, %arg13: memref<!tpu.dma_semaphore, #tpu.memory_space<semaphore_mem>>, %arg14: memref<!tpu.dma_semaphore, #tpu.memory_space<semaphore_mem>>) attributes {dimension_semantics = [#tpu.dimension_semantics<core_parallel>, #tpu.dimension_semantics<subcore_parallel>], iteration_bounds = array<i64: 2, 16>, scalar_prefetch = 0 : i64, scratch_operands = 8 : i64, tpu.core_type = #tpu.core_type<sc_vector_subcore>, window_params = [{transform_indices = #map}, {transform_indices = #map1}, {transform_indices = #map1}, {transform_indices = #map}, {transform_indices = #map}]} {
    %mul3A = arith.constant 2 : i32
    %mul3A_0 = arith.muli %arg1, %mul3A : i32
    %add3A = arith.addi %mul3A_0, %arg0 : i32
    %mul3A_1 = arith.constant 64 : i32
    %mul3A_2 = arith.muli %add3A, %mul3A_1 : i32
    "tpu.region"() ({
      %run_scoped3A = tpu.sem_alloc : memref<!tpu.dma_semaphore, #tpu.memory_space<semaphore_mem>>
      %dma_start3A_77 = tpu.memref_slice %arg3[%mul3A_2] : memref<2048xi32, #tpu.memory_space<hbm>> -> memref<64xi32, #tpu.memory_space<hbm>>
      %dma_start3A_78 = tpu.memref_slice %arg3[%mul3A_2] : memref<2048xi32, #tpu.memory_space<hbm>> -> memref<64xi32, #tpu.memory_space<hbm>>
      tpu.enqueue_dma source(%dma_start3A_78 : memref<64xi32, #tpu.memory_space<hbm>>) target(%arg9 : memref<64xi32, #tpu.memory_space<vmem>>) target_semaphore(%run_scoped3A : memref<!tpu.dma_semaphore, #tpu.memory_space<semaphore_mem>>)
      %dma_wait3A_79 = tpu.memref_slice %arg3[%mul3A_2] : memref<2048xi32, #tpu.memory_space<hbm>> -> memref<64xi32, #tpu.memory_space<hbm>>
      %dma_wait3A_80 = tpu.memref_slice %arg3[%mul3A_2] : memref<2048xi32, #tpu.memory_space<hbm>> -> memref<64xi32, #tpu.memory_space<hbm>>
      tpu.wait_dma2 semaphore(%run_scoped3A : memref<!tpu.dma_semaphore, #tpu.memory_space<semaphore_mem>>) src(%dma_wait3A_80 : memref<64xi32, #tpu.memory_space<hbm>>) dst(%arg9 : memref<64xi32, #tpu.memory_space<vmem>>)
      tpu.yield
    }) : () -> ()
    "tpu.region"() ({
      %run_scoped3A = tpu.sem_alloc : memref<!tpu.dma_semaphore, #tpu.memory_space<semaphore_mem>>
      %dma_start3A_77 = tpu.memref_slice %arg4[%mul3A_2] : memref<2048xi32, #tpu.memory_space<hbm>> -> memref<64xi32, #tpu.memory_space<hbm>>
      %dma_start3A_78 = tpu.memref_slice %arg4[%mul3A_2] : memref<2048xi32, #tpu.memory_space<hbm>> -> memref<64xi32, #tpu.memory_space<hbm>>
      tpu.enqueue_dma source(%dma_start3A_78 : memref<64xi32, #tpu.memory_space<hbm>>) target(%arg10 : memref<64xi32, #tpu.memory_space<vmem>>) target_semaphore(%run_scoped3A : memref<!tpu.dma_semaphore, #tpu.memory_space<semaphore_mem>>)
      %dma_wait3A_79 = tpu.memref_slice %arg4[%mul3A_2] : memref<2048xi32, #tpu.memory_space<hbm>> -> memref<64xi32, #tpu.memory_space<hbm>>
      %dma_wait3A_80 = tpu.memref_slice %arg4[%mul3A_2] : memref<2048xi32, #tpu.memory_space<hbm>> -> memref<64xi32, #tpu.memory_space<hbm>>
      tpu.wait_dma2 semaphore(%run_scoped3A : memref<!tpu.dma_semaphore, #tpu.memory_space<semaphore_mem>>) src(%dma_wait3A_80 : memref<64xi32, #tpu.memory_space<hbm>>) dst(%arg10 : memref<64xi32, #tpu.memory_space<vmem>>)
      tpu.yield
    }) : () -> ()
    %add3A_3 = arith.constant 0 : i32
    %add3A_4 = arith.addi %mul3A_2, %add3A_3 : i32
    %dma_start3A = arith.constant 0 : i32
    %dma_start3A_5 = tpu.memref_slice %arg9[%dma_start3A] : memref<64xi32, #tpu.memory_space<vmem>> -> memref<32xi32, #tpu.memory_space<vmem>>
    %dma_start3A_6 = arith.constant 0 : i32
    %dma_start3A_7 = arith.constant 0 : i32
    %dma_start3A_8 = tpu.memref_slice %arg2[%dma_start3A_6, %dma_start3A_7] : memref<8192x1024xf32, #tpu.memory_space<hbm>> -> memref<8192x1024xf32, #tpu.memory_space<hbm>>
    tpu.enqueue_indirect_dma source(%dma_start3A_8 : memref<8192x1024xf32, #tpu.memory_space<hbm>>) target(%arg7 : memref<32x1024xf32, #tpu.memory_space<vmem>>) offsets(%dma_start3A_5 : memref<32xi32, #tpu.memory_space<vmem>>) semaphore(%arg11 : memref<!tpu.dma_semaphore, #tpu.memory_space<semaphore_mem>>)
    %dma_start3A_9 = arith.constant 0 : i32
    %dma_start3A_10 = tpu.memref_slice %arg10[%dma_start3A_9] : memref<64xi32, #tpu.memory_space<vmem>> -> memref<32xi32, #tpu.memory_space<vmem>>
    %dma_start3A_11 = arith.constant 0 : i32
    %dma_start3A_12 = arith.constant 0 : i32
    %dma_start3A_13 = tpu.memref_slice %arg2[%dma_start3A_11, %dma_start3A_12] : memref<8192x1024xf32, #tpu.memory_space<hbm>> -> memref<8192x1024xf32, #tpu.memory_space<hbm>>
    tpu.enqueue_indirect_dma source(%dma_start3A_13 : memref<8192x1024xf32, #tpu.memory_space<hbm>>) target(%arg8 : memref<32x1024xf32, #tpu.memory_space<vmem>>) offsets(%dma_start3A_10 : memref<32xi32, #tpu.memory_space<vmem>>) semaphore(%arg12 : memref<!tpu.dma_semaphore, #tpu.memory_space<semaphore_mem>>)
    %dma_wait3A = arith.constant 0 : i32
    %dma_wait3A_14 = tpu.memref_slice %arg9[%dma_wait3A] : memref<64xi32, #tpu.memory_space<vmem>> -> memref<32xi32, #tpu.memory_space<vmem>>
    %dma_wait3A_15 = arith.constant 0 : i32
    %dma_wait3A_16 = arith.constant 0 : i32
    %dma_wait3A_17 = tpu.memref_slice %arg2[%dma_wait3A_15, %dma_wait3A_16] : memref<8192x1024xf32, #tpu.memory_space<hbm>> -> memref<8192x1024xf32, #tpu.memory_space<hbm>>
    tpu.wait_indirect_dma semaphore(%arg11 : memref<!tpu.dma_semaphore, #tpu.memory_space<semaphore_mem>>) src(%dma_wait3A_17 : memref<8192x1024xf32, #tpu.memory_space<hbm>>) dst(%arg7 : memref<32x1024xf32, #tpu.memory_space<vmem>>)
    %dma_wait3A_18 = arith.constant 0 : i32
    %dma_wait3A_19 = tpu.memref_slice %arg10[%dma_wait3A_18] : memref<64xi32, #tpu.memory_space<vmem>> -> memref<32xi32, #tpu.memory_space<vmem>>
    %dma_wait3A_20 = arith.constant 0 : i32
    %dma_wait3A_21 = arith.constant 0 : i32
    %dma_wait3A_22 = tpu.memref_slice %arg2[%dma_wait3A_20, %dma_wait3A_21] : memref<8192x1024xf32, #tpu.memory_space<hbm>> -> memref<8192x1024xf32, #tpu.memory_space<hbm>>
    tpu.wait_indirect_dma semaphore(%arg12 : memref<!tpu.dma_semaphore, #tpu.memory_space<semaphore_mem>>) src(%dma_wait3A_22 : memref<8192x1024xf32, #tpu.memory_space<hbm>>) dst(%arg8 : memref<32x1024xf32, #tpu.memory_space<vmem>>)
    %dma_start3A_23 = arith.constant 0 : i32
    %dma_start3A_24 = tpu.memref_slice %arg5[%add3A_4, %dma_start3A_23] : memref<2048x1024xf32, #tpu.memory_space<hbm>> -> memref<32x1024xf32, #tpu.memory_space<hbm>>
    %dma_start3A_25 = arith.constant 0 : i32
    %dma_start3A_26 = tpu.memref_slice %arg5[%add3A_4, %dma_start3A_25] : memref<2048x1024xf32, #tpu.memory_space<hbm>> -> memref<32x1024xf32, #tpu.memory_space<hbm>>
    tpu.enqueue_dma source(%arg7 : memref<32x1024xf32, #tpu.memory_space<vmem>>) target(%dma_start3A_26 : memref<32x1024xf32, #tpu.memory_space<hbm>>) target_semaphore(%arg13 : memref<!tpu.dma_semaphore, #tpu.memory_space<semaphore_mem>>)
    %dma_start3A_27 = arith.constant 0 : i32
    %dma_start3A_28 = tpu.memref_slice %arg6[%add3A_4, %dma_start3A_27] : memref<2048x1024xf32, #tpu.memory_space<hbm>> -> memref<32x1024xf32, #tpu.memory_space<hbm>>
    %dma_start3A_29 = arith.constant 0 : i32
    %dma_start3A_30 = tpu.memref_slice %arg6[%add3A_4, %dma_start3A_29] : memref<2048x1024xf32, #tpu.memory_space<hbm>> -> memref<32x1024xf32, #tpu.memory_space<hbm>>
    tpu.enqueue_dma source(%arg8 : memref<32x1024xf32, #tpu.memory_space<vmem>>) target(%dma_start3A_30 : memref<32x1024xf32, #tpu.memory_space<hbm>>) target_semaphore(%arg14 : memref<!tpu.dma_semaphore, #tpu.memory_space<semaphore_mem>>)
    %dma_wait3A_31 = arith.constant 0 : i32
    %dma_wait3A_32 = tpu.memref_slice %arg5[%add3A_4, %dma_wait3A_31] : memref<2048x1024xf32, #tpu.memory_space<hbm>> -> memref<32x1024xf32, #tpu.memory_space<hbm>>
    %dma_wait3A_33 = arith.constant 0 : i32
    %dma_wait3A_34 = tpu.memref_slice %arg5[%add3A_4, %dma_wait3A_33] : memref<2048x1024xf32, #tpu.memory_space<hbm>> -> memref<32x1024xf32, #tpu.memory_space<hbm>>
    tpu.wait_dma2 semaphore(%arg13 : memref<!tpu.dma_semaphore, #tpu.memory_space<semaphore_mem>>) src(%arg7 : memref<32x1024xf32, #tpu.memory_space<vmem>>) dst(%dma_wait3A_34 : memref<32x1024xf32, #tpu.memory_space<hbm>>)
    %dma_wait3A_35 = arith.constant 0 : i32
    %dma_wait3A_36 = tpu.memref_slice %arg6[%add3A_4, %dma_wait3A_35] : memref<2048x1024xf32, #tpu.memory_space<hbm>> -> memref<32x1024xf32, #tpu.memory_space<hbm>>
    %dma_wait3A_37 = arith.constant 0 : i32
    %dma_wait3A_38 = tpu.memref_slice %arg6[%add3A_4, %dma_wait3A_37] : memref<2048x1024xf32, #tpu.memory_space<hbm>> -> memref<32x1024xf32, #tpu.memory_space<hbm>>
    tpu.wait_dma2 semaphore(%arg14 : memref<!tpu.dma_semaphore, #tpu.memory_space<semaphore_mem>>) src(%arg8 : memref<32x1024xf32, #tpu.memory_space<vmem>>) dst(%dma_wait3A_38 : memref<32x1024xf32, #tpu.memory_space<hbm>>)
    %add3A_39 = arith.constant 32 : i32
    %add3A_40 = arith.addi %mul3A_2, %add3A_39 : i32
    %dma_start3A_41 = arith.constant 32 : i32
    %dma_start3A_42 = tpu.memref_slice %arg9[%dma_start3A_41] : memref<64xi32, #tpu.memory_space<vmem>> -> memref<32xi32, #tpu.memory_space<vmem>>
    %dma_start3A_43 = arith.constant 0 : i32
    %dma_start3A_44 = arith.constant 0 : i32
    %dma_start3A_45 = tpu.memref_slice %arg2[%dma_start3A_43, %dma_start3A_44] : memref<8192x1024xf32, #tpu.memory_space<hbm>> -> memref<8192x1024xf32, #tpu.memory_space<hbm>>
    tpu.enqueue_indirect_dma source(%dma_start3A_45 : memref<8192x1024xf32, #tpu.memory_space<hbm>>) target(%arg7 : memref<32x1024xf32, #tpu.memory_space<vmem>>) offsets(%dma_start3A_42 : memref<32xi32, #tpu.memory_space<vmem>>) semaphore(%arg11 : memref<!tpu.dma_semaphore, #tpu.memory_space<semaphore_mem>>)
    %dma_start3A_46 = arith.constant 32 : i32
    %dma_start3A_47 = tpu.memref_slice %arg10[%dma_start3A_46] : memref<64xi32, #tpu.memory_space<vmem>> -> memref<32xi32, #tpu.memory_space<vmem>>
    %dma_start3A_48 = arith.constant 0 : i32
    %dma_start3A_49 = arith.constant 0 : i32
    %dma_start3A_50 = tpu.memref_slice %arg2[%dma_start3A_48, %dma_start3A_49] : memref<8192x1024xf32, #tpu.memory_space<hbm>> -> memref<8192x1024xf32, #tpu.memory_space<hbm>>
    tpu.enqueue_indirect_dma source(%dma_start3A_50 : memref<8192x1024xf32, #tpu.memory_space<hbm>>) target(%arg8 : memref<32x1024xf32, #tpu.memory_space<vmem>>) offsets(%dma_start3A_47 : memref<32xi32, #tpu.memory_space<vmem>>) semaphore(%arg12 : memref<!tpu.dma_semaphore, #tpu.memory_space<semaphore_mem>>)
    %dma_wait3A_51 = arith.constant 32 : i32
    %dma_wait3A_52 = tpu.memref_slice %arg9[%dma_wait3A_51] : memref<64xi32, #tpu.memory_space<vmem>> -> memref<32xi32, #tpu.memory_space<vmem>>
    %dma_wait3A_53 = arith.constant 0 : i32
    %dma_wait3A_54 = arith.constant 0 : i32
    %dma_wait3A_55 = tpu.memref_slice %arg2[%dma_wait3A_53, %dma_wait3A_54] : memref<8192x1024xf32, #tpu.memory_space<hbm>> -> memref<8192x1024xf32, #tpu.memory_space<hbm>>
    tpu.wait_indirect_dma semaphore(%arg11 : memref<!tpu.dma_semaphore, #tpu.memory_space<semaphore_mem>>) src(%dma_wait3A_55 : memref<8192x1024xf32, #tpu.memory_space<hbm>>) dst(%arg7 : memref<32x1024xf32, #tpu.memory_space<vmem>>)
    %dma_wait3A_56 = arith.constant 32 : i32
    %dma_wait3A_57 = tpu.memref_slice %arg10[%dma_wait3A_56] : memref<64xi32, #tpu.memory_space<vmem>> -> memref<32xi32, #tpu.memory_space<vmem>>
    %dma_wait3A_58 = arith.constant 0 : i32
    %dma_wait3A_59 = arith.constant 0 : i32
    %dma_wait3A_60 = tpu.memref_slice %arg2[%dma_wait3A_58, %dma_wait3A_59] : memref<8192x1024xf32, #tpu.memory_space<hbm>> -> memref<8192x1024xf32, #tpu.memory_space<hbm>>
    tpu.wait_indirect_dma semaphore(%arg12 : memref<!tpu.dma_semaphore, #tpu.memory_space<semaphore_mem>>) src(%dma_wait3A_60 : memref<8192x1024xf32, #tpu.memory_space<hbm>>) dst(%arg8 : memref<32x1024xf32, #tpu.memory_space<vmem>>)
    %dma_start3A_61 = arith.constant 0 : i32
    %dma_start3A_62 = tpu.memref_slice %arg5[%add3A_40, %dma_start3A_61] : memref<2048x1024xf32, #tpu.memory_space<hbm>> -> memref<32x1024xf32, #tpu.memory_space<hbm>>
    %dma_start3A_63 = arith.constant 0 : i32
    %dma_start3A_64 = tpu.memref_slice %arg5[%add3A_40, %dma_start3A_63] : memref<2048x1024xf32, #tpu.memory_space<hbm>> -> memref<32x1024xf32, #tpu.memory_space<hbm>>
    tpu.enqueue_dma source(%arg7 : memref<32x1024xf32, #tpu.memory_space<vmem>>) target(%dma_start3A_64 : memref<32x1024xf32, #tpu.memory_space<hbm>>) target_semaphore(%arg13 : memref<!tpu.dma_semaphore, #tpu.memory_space<semaphore_mem>>)
    %dma_start3A_65 = arith.constant 0 : i32
    %dma_start3A_66 = tpu.memref_slice %arg6[%add3A_40, %dma_start3A_65] : memref<2048x1024xf32, #tpu.memory_space<hbm>> -> memref<32x1024xf32, #tpu.memory_space<hbm>>
    %dma_start3A_67 = arith.constant 0 : i32
    %dma_start3A_68 = tpu.memref_slice %arg6[%add3A_40, %dma_start3A_67] : memref<2048x1024xf32, #tpu.memory_space<hbm>> -> memref<32x1024xf32, #tpu.memory_space<hbm>>
    tpu.enqueue_dma source(%arg8 : memref<32x1024xf32, #tpu.memory_space<vmem>>) target(%dma_start3A_68 : memref<32x1024xf32, #tpu.memory_space<hbm>>) target_semaphore(%arg14 : memref<!tpu.dma_semaphore, #tpu.memory_space<semaphore_mem>>)
    %dma_wait3A_69 = arith.constant 0 : i32
    %dma_wait3A_70 = tpu.memref_slice %arg5[%add3A_40, %dma_wait3A_69] : memref<2048x1024xf32, #tpu.memory_space<hbm>> -> memref<32x1024xf32, #tpu.memory_space<hbm>>
    %dma_wait3A_71 = arith.constant 0 : i32
    %dma_wait3A_72 = tpu.memref_slice %arg5[%add3A_40, %dma_wait3A_71] : memref<2048x1024xf32, #tpu.memory_space<hbm>> -> memref<32x1024xf32, #tpu.memory_space<hbm>>
    tpu.wait_dma2 semaphore(%arg13 : memref<!tpu.dma_semaphore, #tpu.memory_space<semaphore_mem>>) src(%arg7 : memref<32x1024xf32, #tpu.memory_space<vmem>>) dst(%dma_wait3A_72 : memref<32x1024xf32, #tpu.memory_space<hbm>>)
    %dma_wait3A_73 = arith.constant 0 : i32
    %dma_wait3A_74 = tpu.memref_slice %arg6[%add3A_40, %dma_wait3A_73] : memref<2048x1024xf32, #tpu.memory_space<hbm>> -> memref<32x1024xf32, #tpu.memory_space<hbm>>
    %dma_wait3A_75 = arith.constant 0 : i32
    %dma_wait3A_76 = tpu.memref_slice %arg6[%add3A_40, %dma_wait3A_75] : memref<2048x1024xf32, #tpu.memory_space<hbm>> -> memref<32x1024xf32, #tpu.memory_space<hbm>>
    tpu.wait_dma2 semaphore(%arg14 : memref<!tpu.dma_semaphore, #tpu.memory_space<semaphore_mem>>) src(%arg8 : memref<32x1024xf32, #tpu.memory_space<vmem>>) dst(%dma_wait3A_76 : memref<32x1024xf32, #tpu.memory_space<hbm>>)
    return
  }
}

#map = affine_map<(d0, d1) -> (0, 0)>
#map1 = affine_map<(d0, d1) -> (0)>
module attributes {stable_mosaic.version = 14 : i64} {
  func.func @_dispatch(%arg0: i32, %arg1: i32, %arg2: memref<2048x1024xf32, #tpu.memory_space<hbm>>, %arg3: memref<2048xi32, #tpu.memory_space<hbm>>, %arg4: memref<2048xi32, #tpu.memory_space<hbm>>, %arg5: memref<8192x1024xf32, #tpu.memory_space<hbm>>, %arg6: memref<64x1024xf32, #tpu.memory_space<vmem>>, %arg7: memref<64xi32, #tpu.memory_space<vmem>>, %arg8: memref<64xi32, #tpu.memory_space<vmem>>, %arg9: memref<!tpu.dma_semaphore, #tpu.memory_space<semaphore_mem>>, %arg10: memref<!tpu.dma_semaphore, #tpu.memory_space<semaphore_mem>>) attributes {dimension_semantics = [#tpu.dimension_semantics<core_parallel>, #tpu.dimension_semantics<subcore_parallel>], iteration_bounds = array<i64: 2, 16>, scalar_prefetch = 0 : i64, scratch_operands = 5 : i64, tpu.core_type = #tpu.core_type<sc_vector_subcore>, window_params = [{transform_indices = #map}, {transform_indices = #map1}, {transform_indices = #map1}, {transform_indices = #map}]} {
    %mul3A = arith.constant 2 : i32
    %mul3A_0 = arith.muli %arg1, %mul3A : i32
    %add3A = arith.addi %mul3A_0, %arg0 : i32
    %mul3A_1 = arith.constant 64 : i32
    %mul3A_2 = arith.muli %add3A, %mul3A_1 : i32
    "tpu.region"() ({
      %run_scoped3A = tpu.sem_alloc : memref<!tpu.dma_semaphore, #tpu.memory_space<semaphore_mem>>
      %dma_start3A_13 = arith.constant 0 : i32
      %dma_start3A_14 = tpu.memref_slice %arg2[%mul3A_2, %dma_start3A_13] : memref<2048x1024xf32, #tpu.memory_space<hbm>> -> memref<64x1024xf32, #tpu.memory_space<hbm>>
      %dma_start3A_15 = arith.constant 0 : i32
      %dma_start3A_16 = tpu.memref_slice %arg2[%mul3A_2, %dma_start3A_15] : memref<2048x1024xf32, #tpu.memory_space<hbm>> -> memref<64x1024xf32, #tpu.memory_space<hbm>>
      tpu.enqueue_dma source(%dma_start3A_16 : memref<64x1024xf32, #tpu.memory_space<hbm>>) target(%arg6 : memref<64x1024xf32, #tpu.memory_space<vmem>>) target_semaphore(%run_scoped3A : memref<!tpu.dma_semaphore, #tpu.memory_space<semaphore_mem>>)
      %dma_wait3A_17 = arith.constant 0 : i32
      %dma_wait3A_18 = tpu.memref_slice %arg2[%mul3A_2, %dma_wait3A_17] : memref<2048x1024xf32, #tpu.memory_space<hbm>> -> memref<64x1024xf32, #tpu.memory_space<hbm>>
      %dma_wait3A_19 = arith.constant 0 : i32
      %dma_wait3A_20 = tpu.memref_slice %arg2[%mul3A_2, %dma_wait3A_19] : memref<2048x1024xf32, #tpu.memory_space<hbm>> -> memref<64x1024xf32, #tpu.memory_space<hbm>>
      tpu.wait_dma2 semaphore(%run_scoped3A : memref<!tpu.dma_semaphore, #tpu.memory_space<semaphore_mem>>) src(%dma_wait3A_20 : memref<64x1024xf32, #tpu.memory_space<hbm>>) dst(%arg6 : memref<64x1024xf32, #tpu.memory_space<vmem>>)
      tpu.yield
    }) : () -> ()
    "tpu.region"() ({
      %run_scoped3A = tpu.sem_alloc : memref<!tpu.dma_semaphore, #tpu.memory_space<semaphore_mem>>
      %dma_start3A_13 = tpu.memref_slice %arg3[%mul3A_2] : memref<2048xi32, #tpu.memory_space<hbm>> -> memref<64xi32, #tpu.memory_space<hbm>>
      %dma_start3A_14 = tpu.memref_slice %arg3[%mul3A_2] : memref<2048xi32, #tpu.memory_space<hbm>> -> memref<64xi32, #tpu.memory_space<hbm>>
      tpu.enqueue_dma source(%dma_start3A_14 : memref<64xi32, #tpu.memory_space<hbm>>) target(%arg7 : memref<64xi32, #tpu.memory_space<vmem>>) target_semaphore(%run_scoped3A : memref<!tpu.dma_semaphore, #tpu.memory_space<semaphore_mem>>)
      %dma_wait3A_15 = tpu.memref_slice %arg3[%mul3A_2] : memref<2048xi32, #tpu.memory_space<hbm>> -> memref<64xi32, #tpu.memory_space<hbm>>
      %dma_wait3A_16 = tpu.memref_slice %arg3[%mul3A_2] : memref<2048xi32, #tpu.memory_space<hbm>> -> memref<64xi32, #tpu.memory_space<hbm>>
      tpu.wait_dma2 semaphore(%run_scoped3A : memref<!tpu.dma_semaphore, #tpu.memory_space<semaphore_mem>>) src(%dma_wait3A_16 : memref<64xi32, #tpu.memory_space<hbm>>) dst(%arg7 : memref<64xi32, #tpu.memory_space<vmem>>)
      tpu.yield
    }) : () -> ()
    "tpu.region"() ({
      %run_scoped3A = tpu.sem_alloc : memref<!tpu.dma_semaphore, #tpu.memory_space<semaphore_mem>>
      %dma_start3A_13 = tpu.memref_slice %arg4[%mul3A_2] : memref<2048xi32, #tpu.memory_space<hbm>> -> memref<64xi32, #tpu.memory_space<hbm>>
      %dma_start3A_14 = tpu.memref_slice %arg4[%mul3A_2] : memref<2048xi32, #tpu.memory_space<hbm>> -> memref<64xi32, #tpu.memory_space<hbm>>
      tpu.enqueue_dma source(%dma_start3A_14 : memref<64xi32, #tpu.memory_space<hbm>>) target(%arg8 : memref<64xi32, #tpu.memory_space<vmem>>) target_semaphore(%run_scoped3A : memref<!tpu.dma_semaphore, #tpu.memory_space<semaphore_mem>>)
      %dma_wait3A_15 = tpu.memref_slice %arg4[%mul3A_2] : memref<2048xi32, #tpu.memory_space<hbm>> -> memref<64xi32, #tpu.memory_space<hbm>>
      %dma_wait3A_16 = tpu.memref_slice %arg4[%mul3A_2] : memref<2048xi32, #tpu.memory_space<hbm>> -> memref<64xi32, #tpu.memory_space<hbm>>
      tpu.wait_dma2 semaphore(%run_scoped3A : memref<!tpu.dma_semaphore, #tpu.memory_space<semaphore_mem>>) src(%dma_wait3A_16 : memref<64xi32, #tpu.memory_space<hbm>>) dst(%arg8 : memref<64xi32, #tpu.memory_space<vmem>>)
      tpu.yield
    }) : () -> ()
    %dma_start3A = arith.constant 0 : i32
    %dma_start3A_3 = arith.constant 0 : i32
    %dma_start3A_4 = tpu.memref_slice %arg5[%dma_start3A, %dma_start3A_3] : memref<8192x1024xf32, #tpu.memory_space<hbm>> -> memref<8192x1024xf32, #tpu.memory_space<hbm>>
    tpu.enqueue_indirect_dma source(%arg6 : memref<64x1024xf32, #tpu.memory_space<vmem>>) target(%dma_start3A_4 : memref<8192x1024xf32, #tpu.memory_space<hbm>>) offsets(%arg7 : memref<64xi32, #tpu.memory_space<vmem>>) semaphore(%arg9 : memref<!tpu.dma_semaphore, #tpu.memory_space<semaphore_mem>>)
    %dma_start3A_5 = arith.constant 0 : i32
    %dma_start3A_6 = arith.constant 0 : i32
    %dma_start3A_7 = tpu.memref_slice %arg5[%dma_start3A_5, %dma_start3A_6] : memref<8192x1024xf32, #tpu.memory_space<hbm>> -> memref<8192x1024xf32, #tpu.memory_space<hbm>>
    tpu.enqueue_indirect_dma source(%arg6 : memref<64x1024xf32, #tpu.memory_space<vmem>>) target(%dma_start3A_7 : memref<8192x1024xf32, #tpu.memory_space<hbm>>) offsets(%arg8 : memref<64xi32, #tpu.memory_space<vmem>>) semaphore(%arg10 : memref<!tpu.dma_semaphore, #tpu.memory_space<semaphore_mem>>)
    %dma_wait3A = arith.constant 0 : i32
    %dma_wait3A_8 = arith.constant 0 : i32
    %dma_wait3A_9 = tpu.memref_slice %arg5[%dma_wait3A, %dma_wait3A_8] : memref<8192x1024xf32, #tpu.memory_space<hbm>> -> memref<8192x1024xf32, #tpu.memory_space<hbm>>
    tpu.wait_indirect_dma semaphore(%arg9 : memref<!tpu.dma_semaphore, #tpu.memory_space<semaphore_mem>>) src(%arg6 : memref<64x1024xf32, #tpu.memory_space<vmem>>) dst(%dma_wait3A_9 : memref<8192x1024xf32, #tpu.memory_space<hbm>>)
    %dma_wait3A_10 = arith.constant 0 : i32
    %dma_wait3A_11 = arith.constant 0 : i32
    %dma_wait3A_12 = tpu.memref_slice %arg5[%dma_wait3A_10, %dma_wait3A_11] : memref<8192x1024xf32, #tpu.memory_space<hbm>> -> memref<8192x1024xf32, #tpu.memory_space<hbm>>
    tpu.wait_indirect_dma semaphore(%arg10 : memref<!tpu.dma_semaphore, #tpu.memory_space<semaphore_mem>>) src(%arg6 : memref<64x1024xf32, #tpu.memory_space<vmem>>) dst(%dma_wait3A_12 : memref<8192x1024xf32, #tpu.memory_space<hbm>>)
    return
  }
}

module attributes {stable_mosaic.version = 14 : i64} {
  func.func @_shared_body(%arg0: i32, %arg1: i32, %arg2: memref<512x1024xf32, #tpu.memory_space<vmem>>, %arg3: memref<1x384x1024xf32, #tpu.memory_space<vmem>>, %arg4: memref<1x384x1024xf32, #tpu.memory_space<vmem>>, %arg5: memref<1x1024x384xf32, #tpu.memory_space<vmem>>, %arg6: memref<512x1024xbf16, #tpu.memory_space<vmem>>, %arg7: memref<2048x1024xf32, #tpu.memory_space<vmem>>) attributes {dimension_semantics = [#tpu.dimension_semantics<arbitrary>, #tpu.dimension_semantics<arbitrary>], iteration_bounds = array<i64: 2, 4>, scalar_prefetch = 0 : i64, scratch_operands = 1 : i64, tpu.core_type = #tpu.core_type<tc>, window_params = [{transform_indices = @transform_0, window_bounds = array<i64: 512, 1024>}, {transform_indices = @transform_1, window_bounds = array<i64: 1, 384, 1024>}, {transform_indices = @transform_2, window_bounds = array<i64: 1, 384, 1024>}, {transform_indices = @transform_3, window_bounds = array<i64: 1, 1024, 384>}, {transform_indices = @transform_4, window_bounds = array<i64: 512, 1024>}]} {
    %get3A = arith.constant 0 : index
    %get3A_0 = arith.constant 0 : index
    %get3A_1 = vector.load %arg2[%get3A, %get3A_0] : memref<512x1024xf32, #tpu.memory_space<vmem>>, vector<512x1024xf32>
    %convert_element_type3A = arith.truncf %get3A_1 : vector<512x1024xf32> to vector<512x1024xbf16>
    %get3A_2 = arith.constant 0 : index
    %get3A_3 = arith.constant 0 : index
    %get3A_4 = arith.constant 0 : index
    %get3A_5 = vector.load %arg3[%get3A_2, %get3A_3, %get3A_4] : memref<1x384x1024xf32, #tpu.memory_space<vmem>>, vector<1x384x1024xf32>
    %get3A_6 = vector.shape_cast %get3A_5 : vector<1x384x1024xf32> to vector<384x1024xf32>
    %convert_element_type3A_7 = arith.truncf %get3A_6 : vector<384x1024xf32> to vector<384x1024xbf16>
    %get3A_8 = arith.constant 0 : index
    %get3A_9 = arith.constant 0 : index
    %get3A_10 = arith.constant 0 : index
    %get3A_11 = vector.load %arg4[%get3A_8, %get3A_9, %get3A_10] : memref<1x384x1024xf32, #tpu.memory_space<vmem>>, vector<1x384x1024xf32>
    %get3A_12 = vector.shape_cast %get3A_11 : vector<1x384x1024xf32> to vector<384x1024xf32>
    %convert_element_type3A_13 = arith.truncf %get3A_12 : vector<384x1024xf32> to vector<384x1024xbf16>
    %get3A_14 = arith.constant 0 : index
    %get3A_15 = arith.constant 0 : index
    %get3A_16 = arith.constant 0 : index
    %get3A_17 = vector.load %arg5[%get3A_14, %get3A_15, %get3A_16] : memref<1x1024x384xf32, #tpu.memory_space<vmem>>, vector<1x1024x384xf32>
    %get3A_18 = vector.shape_cast %get3A_17 : vector<1x1024x384xf32> to vector<1024x384xf32>
    %convert_element_type3A_19 = arith.truncf %get3A_18 : vector<1024x384xf32> to vector<1024x384xbf16>
    %dot_general3A = arith.constant dense<0.000000e+00> : vector<512x384xf32>
    %dot_general3A_20 = tpu.matmul %convert_element_type3A, %convert_element_type3A_7, %dot_general3A {dimension_numbers = #tpu.dot_dimension_numbers<[1], [1], [0], [0], [0, 0, 1, 0], [], []>, transpose_lhs_hint = false} : vector<512x1024xbf16>, vector<384x1024xbf16>, vector<512x384xf32> -> vector<512x384xf32>
    %dot_general3A_21 = arith.constant dense<0.000000e+00> : vector<512x384xf32>
    %dot_general3A_22 = tpu.matmul %convert_element_type3A, %convert_element_type3A_13, %dot_general3A_21 {dimension_numbers = #tpu.dot_dimension_numbers<[1], [1], [0], [0], [0, 0, 1, 0], [], []>, transpose_lhs_hint = false} : vector<512x1024xbf16>, vector<384x1024xbf16>, vector<512x384xf32> -> vector<512x384xf32>
    %logistic3A = arith.negf %dot_general3A_20 : vector<512x384xf32>
    %logistic3A_23 = math.exp %logistic3A : vector<512x384xf32>
    %logistic3A_24 = arith.constant 1.000000e+00 : f32
    %logistic3A_25 = vector.broadcast %logistic3A_24 : f32 to vector<512x384xf32>
    %logistic3A_26 = arith.addf %logistic3A_25, %logistic3A_23 : vector<512x384xf32>
    %logistic3A_27 = arith.divf %logistic3A_25, %logistic3A_26 : vector<512x384xf32>
    %mul3A = arith.mulf %dot_general3A_20, %logistic3A_27 : vector<512x384xf32>
    %mul3A_28 = arith.mulf %mul3A, %dot_general3A_22 : vector<512x384xf32>
    %convert_element_type3A_29 = arith.truncf %mul3A_28 : vector<512x384xf32> to vector<512x384xbf16>
    %dot_general3A_30 = arith.constant dense<0.000000e+00> : vector<512x1024xf32>
    %dot_general3A_31 = tpu.matmul %convert_element_type3A_29, %convert_element_type3A_19, %dot_general3A_30 {dimension_numbers = #tpu.dot_dimension_numbers<[1], [1], [0], [0], [0, 0, 1, 0], [], []>, transpose_lhs_hint = false} : vector<512x384xbf16>, vector<1024x384xbf16>, vector<512x1024xf32> -> vector<512x1024xf32>
    %eq3A = arith.constant 0 : i32
    %eq3A_32 = arith.cmpi eq, %arg0, %eq3A : i32
    %convert_element_type3A_33 = arith.extui %eq3A_32 : i1 to i32
    %cond3A = arith.constant 0 : i32
    %cond3A_34 = arith.cmpi ne, %convert_element_type3A_33, %cond3A : i32
    scf.if %cond3A_34 {
      %mul3A_40 = arith.constant 512 : i32
      %mul3A_41 = arith.muli %arg1, %mul3A_40 : i32
      %swap3A = arith.index_cast %mul3A_41 : i32 to index
      %swap3A_42 = arith.constant 0 : index
      %swap3A_43 = vector.load %arg7[%swap3A, %swap3A_42] : memref<2048x1024xf32, #tpu.memory_space<vmem>>, vector<512x1024xf32>
      tpu.vector_store %arg7[%swap3A, %swap3A_42], %dot_general3A_31 {strides = array<i32>} : memref<2048x1024xf32, #tpu.memory_space<vmem>>, vector<512x1024xf32>,
    } else {
    }
    %eq3A_35 = arith.constant 1 : i32
    %eq3A_36 = arith.cmpi eq, %arg0, %eq3A_35 : i32
    %convert_element_type3A_37 = arith.extui %eq3A_36 : i1 to i32
    %cond3A_38 = arith.constant 0 : i32
    %cond3A_39 = arith.cmpi ne, %convert_element_type3A_37, %cond3A_38 : i32
    scf.if %cond3A_39 {
      %mul3A_40 = arith.constant 512 : i32
      %mul3A_41 = arith.muli %arg1, %mul3A_40 : i32
      %get3A_42 = arith.index_cast %mul3A_41 : i32 to index
      %get3A_43 = arith.constant 0 : index
      %get3A_44 = vector.load %arg7[%get3A_42, %get3A_43] : memref<2048x1024xf32, #tpu.memory_space<vmem>>, vector<512x1024xf32>
      %add3A = arith.addf %get3A_44, %dot_general3A_31 : vector<512x1024xf32>
      %convert_element_type3A_45 = arith.truncf %add3A : vector<512x1024xf32> to vector<512x1024xbf16>
      %swap3A = arith.constant 0 : index
      %swap3A_46 = arith.constant 0 : index
      %swap3A_47 = vector.load %arg6[%swap3A, %swap3A_46] : memref<512x1024xbf16, #tpu.memory_space<vmem>>, vector<512x1024xbf16>
      tpu.vector_store %arg6[%swap3A, %swap3A_46], %convert_element_type3A_45 {strides = array<i32>} : memref<512x1024xbf16, #tpu.memory_space<vmem>>, vector<512x1024xbf16>,
    } else {
    }
    return
  }
  func.func @transform_0(%arg0: i32, %arg1: i32) -> (i32, i32) {
    %c0_i32 = arith.constant 0 : i32
    %c0_i32_0 = arith.constant 0 : i32
    return %arg1, %c0_i32 : i32, i32
  }
  func.func @transform_1(%arg0: i32, %arg1: i32) -> (i32, i32, i32) {
    %c0_i32 = arith.constant 0 : i32
    %c0_i32_0 = arith.constant 0 : i32
    %c0_i32_1 = arith.constant 0 : i32
    return %arg0, %c0_i32, %c0_i32_0 : i32, i32, i32
  }
  func.func @transform_2(%arg0: i32, %arg1: i32) -> (i32, i32, i32) {
    %c0_i32 = arith.constant 0 : i32
    %c0_i32_0 = arith.constant 0 : i32
    %c0_i32_1 = arith.constant 0 : i32
    return %arg0, %c0_i32, %c0_i32_0 : i32, i32, i32
  }
  func.func @transform_3(%arg0: i32, %arg1: i32) -> (i32, i32, i32) {
    %c0_i32 = arith.constant 0 : i32
    %c0_i32_0 = arith.constant 0 : i32
    %c0_i32_1 = arith.constant 0 : i32
    return %arg0, %c0_i32, %c0_i32_0 : i32, i32, i32
  }
  func.func @transform_4(%arg0: i32, %arg1: i32) -> (i32, i32) {
    %eq3A = arith.constant 1 : i32
    %eq3A_0 = arith.cmpi eq, %arg0, %eq3A : i32
    %jit3A = arith.constant 0 : i32
    %select_n3A = arith.select %eq3A_0, %arg1, %jit3A : i32
    %c0_i32 = arith.constant 0 : i32
    %c0_i32_1 = arith.constant 0 : i32
    return %select_n3A, %c0_i32 : i32, i32
  }
}

module attributes {stable_mosaic.version = 14 : i64} {
  func.func @_route_body(%arg0: i32, %arg1: memref<2048x1024xf32, #tpu.memory_space<vmem>>, %arg2: memref<8x1024xf32, #tpu.memory_space<vmem>>, %arg3: memref<1x8xf32, #tpu.memory_space<vmem>>, %arg4: memref<2048x1xi32, #tpu.memory_space<vmem>>, %arg5: memref<2048x1xi32, #tpu.memory_space<vmem>>, %arg6: memref<2048x1xf32, #tpu.memory_space<vmem>>, %arg7: memref<2048x1xf32, #tpu.memory_space<vmem>>, %arg8: memref<1x128xf32, #tpu.memory_space<vmem>>, %arg9: memref<24x8xi32, #tpu.memory_space<vmem>>) attributes {dimension_semantics = [#tpu.dimension_semantics<arbitrary>], iteration_bounds = array<i64: 1>, scalar_prefetch = 0 : i64, scratch_operands = 0 : i64, tpu.core_type = #tpu.core_type<tc>, window_params = [{pipeline_mode = #tpu.pipeline_mode<synchronous>, transform_indices = @transform_0, window_bounds = array<i64: 2048, 1024>}, {pipeline_mode = #tpu.pipeline_mode<synchronous>, transform_indices = @transform_1, window_bounds = array<i64: 8, 1024>}, {pipeline_mode = #tpu.pipeline_mode<synchronous>, transform_indices = @transform_2, window_bounds = array<i64: 1, 8>}, {pipeline_mode = #tpu.pipeline_mode<synchronous>, transform_indices = @transform_3, window_bounds = array<i64: 2048, 1>}, {pipeline_mode = #tpu.pipeline_mode<synchronous>, transform_indices = @transform_4, window_bounds = array<i64: 2048, 1>}, {pipeline_mode = #tpu.pipeline_mode<synchronous>, transform_indices = @transform_5, window_bounds = array<i64: 2048, 1>}, {pipeline_mode = #tpu.pipeline_mode<synchronous>, transform_indices = @transform_6, window_bounds = array<i64: 2048, 1>}, {pipeline_mode = #tpu.pipeline_mode<synchronous>, transform_indices = @transform_7, window_bounds = array<i64: 1, 128>}, {pipeline_mode = #tpu.pipeline_mode<synchronous>, transform_indices = @transform_8, window_bounds = array<i64: 24, 8>}]} {
    %get3A = arith.constant 0 : index
    %get3A_0 = arith.constant 0 : index
    %get3A_1 = vector.load %arg1[%get3A, %get3A_0] : memref<2048x1024xf32, #tpu.memory_space<vmem>>, vector<2048x1024xf32>
    %get3A_2 = arith.constant 0 : index
    %get3A_3 = arith.constant 0 : index
    %get3A_4 = vector.load %arg2[%get3A_2, %get3A_3] : memref<8x1024xf32, #tpu.memory_space<vmem>>, vector<8x1024xf32>
    %dot_general3A = arith.constant dense<0.000000e+00> : vector<2048x8xf32>
    %dot_general3A_5 = tpu.matmul %get3A_1, %get3A_4, %dot_general3A {dimension_numbers = #tpu.dot_dimension_numbers<[1], [1], [0], [0], [0, 0, 1, 0], [], []>, transpose_lhs_hint = false} : vector<2048x1024xf32>, vector<8x1024xf32>, vector<2048x8xf32> -> vector<2048x8xf32>
    %get3A_6 = arith.constant 0 : index
    %get3A_7 = arith.constant 0 : index
    %get3A_8 = vector.load %arg3[%get3A_6, %get3A_7] : memref<1x8xf32, #tpu.memory_space<vmem>>, vector<1x8xf32>
    %add3A = vector.broadcast %get3A_8 : vector<1x8xf32> to vector<2048x8xf32>
    %add3A_9 = arith.addf %dot_general3A_5, %add3A : vector<2048x8xf32>
    %logistic3A = arith.negf %add3A_9 : vector<2048x8xf32>
    %logistic3A_10 = math.exp %logistic3A : vector<2048x8xf32>
    %logistic3A_11 = arith.constant 1.000000e+00 : f32
    %logistic3A_12 = vector.broadcast %logistic3A_11 : f32 to vector<2048x8xf32>
    %logistic3A_13 = arith.addf %logistic3A_12, %logistic3A_10 : vector<2048x8xf32>
    %logistic3A_14 = arith.divf %logistic3A_12, %logistic3A_13 : vector<2048x8xf32>
    %iota3A = tpu.iota {dimensions = array<i32: 1>} : vector<2048x8xi32>
    %reduce_max3A = arith.constant dense<0xFF800000> : vector<2048xf32>
    %reduce_max3A_15 = vector.multi_reduction <maximumf>, %logistic3A_14, %reduce_max3A [1] : vector<2048x8xf32> to vector<2048xf32>
    %broadcast_in_dim3A = vector.shape_cast %reduce_max3A_15 : vector<2048xf32> to vector<2048x1xf32>
    %eq3A = vector.broadcast %broadcast_in_dim3A : vector<2048x1xf32> to vector<2048x8xf32>
    %eq3A_16 = arith.cmpf oeq, %logistic3A_14, %eq3A : vector<2048x8xf32>
    %jit3A = arith.constant 8 : i32
    %broadcast_in_dim3A_17 = vector.broadcast %jit3A : i32 to vector<2048x8xi32>
    %select_n3A = arith.select %eq3A_16, %iota3A, %broadcast_in_dim3A_17 : vector<2048x8xi1>, vector<2048x8xi32>
    %reduce_min3A = arith.constant dense<2147483647> : vector<2048xi32>
    %reduce_min3A_18 = vector.multi_reduction <minsi>, %select_n3A, %reduce_min3A [1] : vector<2048x8xi32> to vector<2048xi32>
    %broadcast_in_dim3A_19 = vector.shape_cast %reduce_min3A_18 : vector<2048xi32> to vector<2048x1xi32>
    %eq3A_20 = vector.broadcast %broadcast_in_dim3A_19 : vector<2048x1xi32> to vector<2048x8xi32>
    %eq3A_21 = arith.cmpi eq, %iota3A, %eq3A_20 : vector<2048x8xi32>
    %jit3A_22 = arith.constant 0xFF800000 : f32
    %broadcast_in_dim3A_23 = vector.broadcast %jit3A_22 : f32 to vector<2048x8xf32>
    %select_n3A_24 = arith.select %eq3A_21, %broadcast_in_dim3A_23, %logistic3A_14 : vector<2048x8xi1>, vector<2048x8xf32>
    %reduce_max3A_25 = arith.constant dense<0xFF800000> : vector<2048xf32>
    %reduce_max3A_26 = vector.multi_reduction <maximumf>, %select_n3A_24, %reduce_max3A_25 [1] : vector<2048x8xf32> to vector<2048xf32>
    %broadcast_in_dim3A_27 = vector.shape_cast %reduce_max3A_26 : vector<2048xf32> to vector<2048x1xf32>
    %eq3A_28 = vector.broadcast %broadcast_in_dim3A_27 : vector<2048x1xf32> to vector<2048x8xf32>
    %eq3A_29 = arith.cmpf oeq, %select_n3A_24, %eq3A_28 : vector<2048x8xf32>
    %jit3A_30 = arith.constant 8 : i32
    %broadcast_in_dim3A_31 = vector.broadcast %jit3A_30 : i32 to vector<2048x8xi32>
    %select_n3A_32 = arith.select %eq3A_29, %iota3A, %broadcast_in_dim3A_31 : vector<2048x8xi1>, vector<2048x8xi32>
    %reduce_min3A_33 = arith.constant dense<2147483647> : vector<2048xi32>
    %reduce_min3A_34 = vector.multi_reduction <minsi>, %select_n3A_32, %reduce_min3A_33 [1] : vector<2048x8xi32> to vector<2048xi32>
    %broadcast_in_dim3A_35 = vector.shape_cast %reduce_min3A_34 : vector<2048xi32> to vector<2048x1xi32>
    %add3A_36 = arith.addf %broadcast_in_dim3A, %broadcast_in_dim3A_27 : vector<2048x1xf32>
    %div3A = arith.divf %broadcast_in_dim3A, %add3A_36 : vector<2048x1xf32>
    %swap3A = arith.constant 0 : index
    %swap3A_37 = arith.constant 0 : index
    %swap3A_38 = vector.load %arg6[%swap3A, %swap3A_37] : memref<2048x1xf32, #tpu.memory_space<vmem>>, vector<2048x1xf32>
    tpu.vector_store %arg6[%swap3A, %swap3A_37], %div3A {strides = array<i32>} : memref<2048x1xf32, #tpu.memory_space<vmem>>, vector<2048x1xf32>,
    %div3A_39 = arith.divf %broadcast_in_dim3A_27, %add3A_36 : vector<2048x1xf32>
    %swap3A_40 = arith.constant 0 : index
    %swap3A_41 = arith.constant 0 : index
    %swap3A_42 = vector.load %arg7[%swap3A_40, %swap3A_41] : memref<2048x1xf32, #tpu.memory_space<vmem>>, vector<2048x1xf32>
    tpu.vector_store %arg7[%swap3A_40, %swap3A_41], %div3A_39 {strides = array<i32>} : memref<2048x1xf32, #tpu.memory_space<vmem>>, vector<2048x1xf32>,
    %eq3A_43 = vector.broadcast %broadcast_in_dim3A_19 : vector<2048x1xi32> to vector<2048x8xi32>
    %eq3A_44 = arith.cmpi eq, %iota3A, %eq3A_43 : vector<2048x8xi32>
    %eq3A_45 = vector.broadcast %broadcast_in_dim3A_35 : vector<2048x1xi32> to vector<2048x8xi32>
    %eq3A_46 = arith.cmpi eq, %iota3A, %eq3A_45 : vector<2048x8xi32>
    %or3A = arith.ori %eq3A_44, %eq3A_46 : vector<2048x8xi1>
    %convert_element_type3A = arith.extui %or3A : vector<2048x8xi1> to vector<2048x8xi32>
    %convert_element_type3A_47 = arith.sitofp %convert_element_type3A : vector<2048x8xi32> to vector<2048x8xf32>
    %iota3A_48 = tpu.iota {dimensions = array<i32: 0>} : vector<2048x2048xi32>
    %iota3A_49 = tpu.iota {dimensions = array<i32: 1>} : vector<2048x2048xi32>
    %lt3A = arith.cmpi slt, %iota3A_49, %iota3A_48 : vector<2048x2048xi32>
    %convert_element_type3A_50 = arith.extui %lt3A : vector<2048x2048xi1> to vector<2048x2048xi32>
    %convert_element_type3A_51 = arith.sitofp %convert_element_type3A_50 : vector<2048x2048xi32> to vector<2048x2048xf32>
    %convert_element_type3A_52 = arith.truncf %convert_element_type3A_51 : vector<2048x2048xf32> to vector<2048x2048xbf16>
    %convert_element_type3A_53 = arith.truncf %convert_element_type3A_47 : vector<2048x8xf32> to vector<2048x8xbf16>
    %dot_general3A_54 = arith.constant dense<0.000000e+00> : vector<2048x8xf32>
    %dot_general3A_55 = tpu.matmul %convert_element_type3A_52, %convert_element_type3A_53, %dot_general3A_54 {dimension_numbers = #tpu.dot_dimension_numbers<[1], [0], [0], [1], [0, 0, 1, 1], [], []>, transpose_lhs_hint = false} : vector<2048x2048xbf16>, vector<2048x8xbf16>, vector<2048x8xf32> -> vector<2048x8xf32>
    %reduce_sum3A = arith.constant dense<0.000000e+00> : vector<8xf32>
    %reduce_sum3A_56 = vector.multi_reduction <add>, %convert_element_type3A_47, %reduce_sum3A [0] : vector<2048x8xf32> to vector<8xf32>
    %broadcast_in_dim3A_57 = vector.shape_cast %reduce_sum3A_56 : vector<8xf32> to vector<1x8xf32>
    %iota3A_58 = tpu.iota {dimensions = array<i32: 1>} : vector<2048x128xi32>
    %eq3A_59 = vector.broadcast %broadcast_in_dim3A_19 : vector<2048x1xi32> to vector<2048x128xi32>
    %eq3A_60 = arith.cmpi eq, %iota3A_58, %eq3A_59 : vector<2048x128xi32>
    %eq3A_61 = vector.broadcast %broadcast_in_dim3A_35 : vector<2048x1xi32> to vector<2048x128xi32>
    %eq3A_62 = arith.cmpi eq, %iota3A_58, %eq3A_61 : vector<2048x128xi32>
    %or3A_63 = arith.ori %eq3A_60, %eq3A_62 : vector<2048x128xi1>
    %convert_element_type3A_64 = arith.extui %or3A_63 : vector<2048x128xi1> to vector<2048x128xi32>
    %convert_element_type3A_65 = arith.sitofp %convert_element_type3A_64 : vector<2048x128xi32> to vector<2048x128xf32>
    %reduce_sum3A_66 = arith.constant dense<0.000000e+00> : vector<128xf32>
    %reduce_sum3A_67 = vector.multi_reduction <add>, %convert_element_type3A_65, %reduce_sum3A_66 [0] : vector<2048x128xf32> to vector<128xf32>
    %broadcast_in_dim3A_68 = vector.shape_cast %reduce_sum3A_67 : vector<128xf32> to vector<1x128xf32>
    %swap3A_69 = arith.constant 0 : index
    %swap3A_70 = arith.constant 0 : index
    %swap3A_71 = vector.load %arg8[%swap3A_69, %swap3A_70] : memref<1x128xf32, #tpu.memory_space<vmem>>, vector<1x128xf32>
    tpu.vector_store %arg8[%swap3A_69, %swap3A_70], %broadcast_in_dim3A_68 {strides = array<i32>} : memref<1x128xf32, #tpu.memory_space<vmem>>, vector<1x128xf32>,
    %convert_element_type3A_72 = arith.fptosi %broadcast_in_dim3A_57 : vector<1x8xf32> to vector<1x8xi32>
    %add3A_73 = arith.constant 511 : i32
    %add3A_74 = vector.broadcast %add3A_73 : i32 to vector<1x8xi32>
    %add3A_75 = arith.addi %convert_element_type3A_72, %add3A_74 : vector<1x8xi32>
    %jit3A_76 = arith.constant 512 : i32
    %div3A_77 = vector.broadcast %jit3A_76 : i32 to vector<1x8xi32>
    %div3A_78 = arith.divsi %add3A_75, %div3A_77 : vector<1x8xi32>
    %sign3A = arith.constant 0 : i32
    %sign3A_79 = vector.broadcast %sign3A : i32 to vector<1x8xi32>
    %sign3A_80 = arith.cmpi sgt, %add3A_75, %sign3A_79 : vector<1x8xi32>
    %sign3A_81 = arith.extui %sign3A_80 : vector<1x8xi1> to vector<1x8xi32>
    %sign3A_82 = arith.constant 0 : i32
    %sign3A_83 = vector.broadcast %sign3A_82 : i32 to vector<1x8xi32>
    %sign3A_84 = arith.cmpi slt, %add3A_75, %sign3A_83 : vector<1x8xi32>
    %sign3A_85 = arith.extui %sign3A_84 : vector<1x8xi1> to vector<1x8xi32>
    %sign3A_86 = arith.subi %sign3A_81, %sign3A_85 : vector<1x8xi32>
    %sign3A_87 = arith.constant 0 : i32
    %sign3A_88 = arith.cmpi sgt, %jit3A_76, %sign3A_87 : i32
    %sign3A_89 = arith.extui %sign3A_88 : i1 to i32
    %sign3A_90 = arith.constant 0 : i32
    %sign3A_91 = arith.cmpi slt, %jit3A_76, %sign3A_90 : i32
    %sign3A_92 = arith.extui %sign3A_91 : i1 to i32
    %sign3A_93 = arith.subi %sign3A_89, %sign3A_92 : i32
    %ne3A = vector.broadcast %sign3A_93 : i32 to vector<1x8xi32>
    %ne3A_94 = arith.cmpi ne, %sign3A_86, %ne3A : vector<1x8xi32>
    %rem3A = vector.broadcast %jit3A_76 : i32 to vector<1x8xi32>
    %rem3A_95 = arith.remsi %add3A_75, %rem3A : vector<1x8xi32>
    %ne3A_96 = arith.constant 0 : i32
    %ne3A_97 = vector.broadcast %ne3A_96 : i32 to vector<1x8xi32>
    %ne3A_98 = arith.cmpi ne, %rem3A_95, %ne3A_97 : vector<1x8xi32>
    %and3A = arith.andi %ne3A_94, %ne3A_98 : vector<1x8xi1>
    %sub3A = arith.constant 1 : i32
    %sub3A_99 = vector.broadcast %sub3A : i32 to vector<1x8xi32>
    %sub3A_100 = arith.subi %div3A_78, %sub3A_99 : vector<1x8xi32>
    %select_n3A_101 = arith.select %and3A, %sub3A_100, %div3A_78 : vector<1x8xi1>, vector<1x8xi32>
    %iota3A_102 = tpu.iota {dimensions = array<i32: 0>} : vector<8x8xi32>
    %iota3A_103 = tpu.iota {dimensions = array<i32: 1>} : vector<8x8xi32>
    %lt3A_104 = arith.cmpi slt, %iota3A_102, %iota3A_103 : vector<8x8xi32>
    %convert_element_type3A_105 = arith.extui %lt3A_104 : vector<8x8xi1> to vector<8x8xi32>
    %convert_element_type3A_106 = arith.sitofp %convert_element_type3A_105 : vector<8x8xi32> to vector<8x8xf32>
    %convert_element_type3A_107 = arith.sitofp %select_n3A_101 : vector<1x8xi32> to vector<1x8xf32>
    %dot_general3A_108 = arith.constant dense<0.000000e+00> : vector<1x8xf32>
    %dot_general3A_109 = tpu.matmul %convert_element_type3A_107, %convert_element_type3A_106, %dot_general3A_108 {dimension_numbers = #tpu.dot_dimension_numbers<[1], [0], [0], [1], [0, 0, 1, 1], [], []>, transpose_lhs_hint = false} : vector<1x8xf32>, vector<8x8xf32>, vector<1x8xf32> -> vector<1x8xf32>
    %convert_element_type3A_110 = arith.fptosi %dot_general3A_109 : vector<1x8xf32> to vector<1x8xi32>
    %mul3A = arith.constant 512 : i32
    %mul3A_111 = vector.broadcast %mul3A : i32 to vector<1x8xi32>
    %mul3A_112 = arith.muli %convert_element_type3A_110, %mul3A_111 : vector<1x8xi32>
    %reduce_sum3A_113 = vector.shape_cast %select_n3A_101 : vector<1x8xi32> to vector<1x1x8xi32>
    %reduce_sum3A_114 = arith.constant dense<0> : vector<1xi32>
    %reduce_sum3A_115 = vector.multi_reduction <add>, %reduce_sum3A_113, %reduce_sum3A_114 [1, 2] : vector<1x1x8xi32> to vector<1xi32>
    %reduce_sum3A_116 = vector.shape_cast %reduce_sum3A_115 : vector<1xi32> to vector<1x1x1xi32>
    %reduce_sum3A_117 = vector.extract %reduce_sum3A_116[0, 0, 0] : i32 from vector<1x1x1xi32>
    %eq3A_118 = vector.broadcast %broadcast_in_dim3A_19 : vector<2048x1xi32> to vector<2048x8xi32>
    %eq3A_119 = arith.cmpi eq, %iota3A, %eq3A_118 : vector<2048x8xi32>
    %broadcast_in_dim3A_120 = vector.shape_cast %mul3A_112 : vector<1x8xi32> to vector<1x8xi32>
    %broadcast_in_dim3A_121 = vector.broadcast %broadcast_in_dim3A_120 : vector<1x8xi32> to vector<2048x8xi32>
    %jit3A_122 = arith.constant 0 : i32
    %broadcast_in_dim3A_123 = vector.broadcast %jit3A_122 : i32 to vector<2048x8xi32>
    %select_n3A_124 = arith.select %eq3A_119, %broadcast_in_dim3A_121, %broadcast_in_dim3A_123 : vector<2048x8xi1>, vector<2048x8xi32>
    %reduce_sum3A_125 = arith.constant dense<0> : vector<2048xi32>
    %reduce_sum3A_126 = vector.multi_reduction <add>, %select_n3A_124, %reduce_sum3A_125 [1] : vector<2048x8xi32> to vector<2048xi32>
    %broadcast_in_dim3A_127 = vector.shape_cast %reduce_sum3A_126 : vector<2048xi32> to vector<2048x1xi32>
    %eq3A_128 = vector.broadcast %broadcast_in_dim3A_35 : vector<2048x1xi32> to vector<2048x8xi32>
    %eq3A_129 = arith.cmpi eq, %iota3A, %eq3A_128 : vector<2048x8xi32>
    %broadcast_in_dim3A_130 = vector.shape_cast %mul3A_112 : vector<1x8xi32> to vector<1x8xi32>
    %broadcast_in_dim3A_131 = vector.broadcast %broadcast_in_dim3A_130 : vector<1x8xi32> to vector<2048x8xi32>
    %jit3A_132 = arith.constant 0 : i32
    %broadcast_in_dim3A_133 = vector.broadcast %jit3A_132 : i32 to vector<2048x8xi32>
    %select_n3A_134 = arith.select %eq3A_129, %broadcast_in_dim3A_131, %broadcast_in_dim3A_133 : vector<2048x8xi1>, vector<2048x8xi32>
    %reduce_sum3A_135 = arith.constant dense<0> : vector<2048xi32>
    %reduce_sum3A_136 = vector.multi_reduction <add>, %select_n3A_134, %reduce_sum3A_135 [1] : vector<2048x8xi32> to vector<2048xi32>
    %broadcast_in_dim3A_137 = vector.shape_cast %reduce_sum3A_136 : vector<2048xi32> to vector<2048x1xi32>
    %eq3A_138 = vector.broadcast %broadcast_in_dim3A_19 : vector<2048x1xi32> to vector<2048x8xi32>
    %eq3A_139 = arith.cmpi eq, %iota3A, %eq3A_138 : vector<2048x8xi32>
    %jit3A_140 = arith.constant 0.000000e+00 : f32
    %broadcast_in_dim3A_141 = vector.broadcast %jit3A_140 : f32 to vector<2048x8xf32>
    %select_n3A_142 = arith.select %eq3A_139, %dot_general3A_55, %broadcast_in_dim3A_141 : vector<2048x8xi1>, vector<2048x8xf32>
    %reduce_sum3A_143 = arith.constant dense<0.000000e+00> : vector<2048xf32>
    %reduce_sum3A_144 = vector.multi_reduction <add>, %select_n3A_142, %reduce_sum3A_143 [1] : vector<2048x8xf32> to vector<2048xf32>
    %broadcast_in_dim3A_145 = vector.shape_cast %reduce_sum3A_144 : vector<2048xf32> to vector<2048x1xf32>
    %eq3A_146 = vector.broadcast %broadcast_in_dim3A_35 : vector<2048x1xi32> to vector<2048x8xi32>
    %eq3A_147 = arith.cmpi eq, %iota3A, %eq3A_146 : vector<2048x8xi32>
    %jit3A_148 = arith.constant 0.000000e+00 : f32
    %broadcast_in_dim3A_149 = vector.broadcast %jit3A_148 : f32 to vector<2048x8xf32>
    %select_n3A_150 = arith.select %eq3A_147, %dot_general3A_55, %broadcast_in_dim3A_149 : vector<2048x8xi1>, vector<2048x8xf32>
    %reduce_sum3A_151 = arith.constant dense<0.000000e+00> : vector<2048xf32>
    %reduce_sum3A_152 = vector.multi_reduction <add>, %select_n3A_150, %reduce_sum3A_151 [1] : vector<2048x8xf32> to vector<2048xf32>
    %broadcast_in_dim3A_153 = vector.shape_cast %reduce_sum3A_152 : vector<2048xf32> to vector<2048x1xf32>
    %convert_element_type3A_154 = arith.fptosi %broadcast_in_dim3A_145 : vector<2048x1xf32> to vector<2048x1xi32>
    %add3A_155 = arith.addi %broadcast_in_dim3A_127, %convert_element_type3A_154 : vector<2048x1xi32>
    %swap3A_156 = arith.constant 0 : index
    %swap3A_157 = arith.constant 0 : index
    %swap3A_158 = vector.load %arg4[%swap3A_156, %swap3A_157] : memref<2048x1xi32, #tpu.memory_space<vmem>>, vector<2048x1xi32>
    tpu.vector_store %arg4[%swap3A_156, %swap3A_157], %add3A_155 {strides = array<i32>} : memref<2048x1xi32, #tpu.memory_space<vmem>>, vector<2048x1xi32>,
    %convert_element_type3A_159 = arith.fptosi %broadcast_in_dim3A_153 : vector<2048x1xf32> to vector<2048x1xi32>
    %add3A_160 = arith.addi %broadcast_in_dim3A_137, %convert_element_type3A_159 : vector<2048x1xi32>
    %swap3A_161 = arith.constant 0 : index
    %swap3A_162 = arith.constant 0 : index
    %swap3A_163 = vector.load %arg5[%swap3A_161, %swap3A_162] : memref<2048x1xi32, #tpu.memory_space<vmem>>, vector<2048x1xi32>
    tpu.vector_store %arg5[%swap3A_161, %swap3A_162], %add3A_160 {strides = array<i32>} : memref<2048x1xi32, #tpu.memory_space<vmem>>, vector<2048x1xi32>,
    %iota3A_164 = tpu.iota {dimensions = array<i32: 0>} : vector<24x1xi32>
    %iota3A_165 = tpu.iota {dimensions = array<i32: 1>} : vector<24x8xi32>
    %iota3A_166 = tpu.iota {dimensions = array<i32: 0>} : vector<24x1xi32>
    %broadcast_in_dim3A_167 = vector.shape_cast %convert_element_type3A_110 : vector<1x8xi32> to vector<1x8xi32>
    %broadcast_in_dim3A_168 = vector.broadcast %broadcast_in_dim3A_167 : vector<1x8xi32> to vector<24x8xi32>
    %ge3A = vector.broadcast %iota3A_166 : vector<24x1xi32> to vector<24x8xi32>
    %ge3A_169 = arith.cmpi sge, %ge3A, %broadcast_in_dim3A_168 : vector<24x8xi32>
    %iota3A_170 = tpu.iota {dimensions = array<i32: 0>} : vector<24x1xi32>
    %add3A_171 = arith.addi %convert_element_type3A_110, %select_n3A_101 : vector<1x8xi32>
    %broadcast_in_dim3A_172 = vector.shape_cast %add3A_171 : vector<1x8xi32> to vector<1x8xi32>
    %broadcast_in_dim3A_173 = vector.broadcast %broadcast_in_dim3A_172 : vector<1x8xi32> to vector<24x8xi32>
    %lt3A_174 = vector.broadcast %iota3A_170 : vector<24x1xi32> to vector<24x8xi32>
    %lt3A_175 = arith.cmpi slt, %lt3A_174, %broadcast_in_dim3A_173 : vector<24x8xi32>
    %and3A_176 = arith.andi %ge3A_169, %lt3A_175 : vector<24x8xi1>
    %jit3A_177 = arith.constant 0 : i32
    %broadcast_in_dim3A_178 = vector.broadcast %jit3A_177 : i32 to vector<24x8xi32>
    %select_n3A_179 = arith.select %and3A_176, %iota3A_165, %broadcast_in_dim3A_178 : vector<24x8xi1>, vector<24x8xi32>
    %reduce_sum3A_180 = arith.constant dense<0> : vector<24xi32>
    %reduce_sum3A_181 = vector.multi_reduction <add>, %select_n3A_179, %reduce_sum3A_180 [1] : vector<24x8xi32> to vector<24xi32>
    %broadcast_in_dim3A_182 = vector.shape_cast %reduce_sum3A_181 : vector<24xi32> to vector<24x1xi32>
    %gt3A = arith.constant 0 : i32
    %gt3A_183 = vector.broadcast %gt3A : i32 to vector<1x8xi32>
    %gt3A_184 = arith.cmpi sgt, %select_n3A_101, %gt3A_183 : vector<1x8xi32>
    %iota3A_185 = tpu.iota {dimensions = array<i32: 1>} : vector<1x8xi32>
    %jit3A_186 = arith.constant 0 : i32
    %broadcast_in_dim3A_187 = vector.broadcast %jit3A_186 : i32 to vector<1x8xi32>
    %select_n3A_188 = arith.select %gt3A_184, %iota3A_185, %broadcast_in_dim3A_187 : vector<1x8xi1>, vector<1x8xi32>
    %reduce_max3A_189 = vector.shape_cast %select_n3A_188 : vector<1x8xi32> to vector<1x1x8xi32>
    %reduce_max3A_190 = arith.constant dense<-2147483648> : vector<1xi32>
    %reduce_max3A_191 = vector.multi_reduction <maxsi>, %reduce_max3A_189, %reduce_max3A_190 [1, 2] : vector<1x1x8xi32> to vector<1xi32>
    %reduce_max3A_192 = vector.shape_cast %reduce_max3A_191 : vector<1xi32> to vector<1x1x1xi32>
    %reduce_max3A_193 = vector.extract %reduce_max3A_192[0, 0, 0] : i32 from vector<1x1x1xi32>
    %ge3A_194 = arith.constant 16 : i32
    %ge3A_195 = vector.broadcast %ge3A_194 : i32 to vector<24x1xi32>
    %ge3A_196 = arith.cmpi sge, %iota3A_164, %ge3A_195 : vector<24x1xi32>
    %sub3A_197 = arith.constant 16 : i32
    %sub3A_198 = vector.broadcast %sub3A_197 : i32 to vector<24x1xi32>
    %sub3A_199 = arith.subi %iota3A_164, %sub3A_198 : vector<24x1xi32>
    %sub3A_200 = arith.constant 1 : i32
    %sub3A_201 = arith.subi %reduce_sum3A_117, %sub3A_200 : i32
    %min3A = vector.broadcast %sub3A_201 : i32 to vector<24x1xi32>
    %min3A_202 = arith.minsi %iota3A_164, %min3A : vector<24x1xi32>
    %sub3A_203 = arith.constant 1 : i32
    %sub3A_204 = arith.subi %reduce_sum3A_117, %sub3A_203 : i32
    %broadcast_in_dim3A_205 = vector.broadcast %sub3A_204 : i32 to vector<24x1xi32>
    %select_n3A_206 = arith.select %ge3A_196, %broadcast_in_dim3A_205, %min3A_202 : vector<24x1xi1>, vector<24x1xi32>
    %jit3A_207 = arith.constant 2 : i32
    %eq3A_208 = arith.constant 0 : i32
    %eq3A_209 = arith.cmpi eq, %jit3A_207, %eq3A_208 : i32
    %jit3A_210 = arith.constant 1 : i32
    %select_n3A_211 = arith.select %eq3A_209, %jit3A_210, %jit3A_207 : i32
    %rem3A_212 = vector.broadcast %select_n3A_211 : i32 to vector<24x1xi32>
    %rem3A_213 = arith.remsi %sub3A_199, %rem3A_212 : vector<24x1xi32>
    %ne3A_214 = arith.constant 0 : i32
    %ne3A_215 = vector.broadcast %ne3A_214 : i32 to vector<24x1xi32>
    %ne3A_216 = arith.cmpi ne, %rem3A_213, %ne3A_215 : vector<24x1xi32>
    %lt3A_217 = arith.constant 0 : i32
    %lt3A_218 = vector.broadcast %lt3A_217 : i32 to vector<24x1xi32>
    %lt3A_219 = arith.cmpi slt, %rem3A_213, %lt3A_218 : vector<24x1xi32>
    %lt3A_220 = arith.constant 0 : i32
    %lt3A_221 = arith.cmpi slt, %select_n3A_211, %lt3A_220 : i32
    %ne3A_222 = vector.broadcast %lt3A_221 : i1 to vector<24x1xi1>
    %ne3A_223 = vector.broadcast %ne3A_222 : vector<24x1xi1> to vector<24x1xi1>
    %ne3A_224 = arith.xori %lt3A_219, %ne3A_223 : vector<24x1xi1>
    %and3A_225 = arith.andi %ne3A_224, %ne3A_216 : vector<24x1xi1>
    %add3A_226 = vector.broadcast %select_n3A_211 : i32 to vector<24x1xi32>
    %add3A_227 = arith.addi %rem3A_213, %add3A_226 : vector<24x1xi32>
    %select_n3A_228 = arith.select %and3A_225, %add3A_227, %rem3A_213 : vector<24x1xi1>, vector<24x1xi32>
    %jit3A_229 = arith.constant 0 : i32
    %broadcast_in_dim3A_230 = vector.broadcast %jit3A_229 : i32 to vector<24x1xi32>
    %select_n3A_231 = arith.select %ge3A_196, %select_n3A_228, %broadcast_in_dim3A_230 : vector<24x1xi1>, vector<24x1xi32>
    %lt3A_232 = vector.broadcast %reduce_sum3A_117 : i32 to vector<24x1xi32>
    %lt3A_233 = arith.cmpi slt, %iota3A_164, %lt3A_232 : vector<24x1xi32>
    %jit3A_234 = arith.constant 1 : i32
    %jit3A_235 = arith.constant 0 : i32
    %broadcast_in_dim3A_236 = vector.broadcast %jit3A_234 : i32 to vector<24x1xi32>
    %broadcast_in_dim3A_237 = vector.broadcast %jit3A_235 : i32 to vector<24x1xi32>
    %select_n3A_238 = arith.select %lt3A_233, %broadcast_in_dim3A_236, %broadcast_in_dim3A_237 : vector<24x1xi1>, vector<24x1xi32>
    %jit3A_239 = arith.constant 2 : i32
    %broadcast_in_dim3A_240 = vector.broadcast %jit3A_239 : i32 to vector<24x1xi32>
    %select_n3A_241 = arith.select %ge3A_196, %broadcast_in_dim3A_240, %select_n3A_238 : vector<24x1xi1>, vector<24x1xi32>
    %ge3A_242 = vector.broadcast %reduce_sum3A_117 : i32 to vector<24x1xi32>
    %ge3A_243 = arith.cmpi sge, %iota3A_164, %ge3A_242 : vector<24x1xi32>
    %or3A_244 = arith.ori %ge3A_196, %ge3A_243 : vector<24x1xi1>
    %broadcast_in_dim3A_245 = vector.broadcast %reduce_max3A_193 : i32 to vector<24x1xi32>
    %select_n3A_246 = arith.select %or3A_244, %broadcast_in_dim3A_245, %broadcast_in_dim3A_182 : vector<24x1xi1>, vector<24x1xi32>
    %jit3A_247 = arith.constant 2 : i32
    %div3A_248 = vector.broadcast %jit3A_247 : i32 to vector<24x1xi32>
    %div3A_249 = arith.divsi %sub3A_199, %div3A_248 : vector<24x1xi32>
    %sign3A_250 = arith.constant 0 : i32
    %sign3A_251 = vector.broadcast %sign3A_250 : i32 to vector<24x1xi32>
    %sign3A_252 = arith.cmpi sgt, %sub3A_199, %sign3A_251 : vector<24x1xi32>
    %sign3A_253 = arith.extui %sign3A_252 : vector<24x1xi1> to vector<24x1xi32>
    %sign3A_254 = arith.constant 0 : i32
    %sign3A_255 = vector.broadcast %sign3A_254 : i32 to vector<24x1xi32>
    %sign3A_256 = arith.cmpi slt, %sub3A_199, %sign3A_255 : vector<24x1xi32>
    %sign3A_257 = arith.extui %sign3A_256 : vector<24x1xi1> to vector<24x1xi32>
    %sign3A_258 = arith.subi %sign3A_253, %sign3A_257 : vector<24x1xi32>
    %sign3A_259 = arith.constant 0 : i32
    %sign3A_260 = arith.cmpi sgt, %jit3A_247, %sign3A_259 : i32
    %sign3A_261 = arith.extui %sign3A_260 : i1 to i32
    %sign3A_262 = arith.constant 0 : i32
    %sign3A_263 = arith.cmpi slt, %jit3A_247, %sign3A_262 : i32
    %sign3A_264 = arith.extui %sign3A_263 : i1 to i32
    %sign3A_265 = arith.subi %sign3A_261, %sign3A_264 : i32
    %ne3A_266 = vector.broadcast %sign3A_265 : i32 to vector<24x1xi32>
    %ne3A_267 = arith.cmpi ne, %sign3A_258, %ne3A_266 : vector<24x1xi32>
    %rem3A_268 = vector.broadcast %jit3A_247 : i32 to vector<24x1xi32>
    %rem3A_269 = arith.remsi %sub3A_199, %rem3A_268 : vector<24x1xi32>
    %ne3A_270 = arith.constant 0 : i32
    %ne3A_271 = vector.broadcast %ne3A_270 : i32 to vector<24x1xi32>
    %ne3A_272 = arith.cmpi ne, %rem3A_269, %ne3A_271 : vector<24x1xi32>
    %and3A_273 = arith.andi %ne3A_267, %ne3A_272 : vector<24x1xi1>
    %sub3A_274 = arith.constant 1 : i32
    %sub3A_275 = vector.broadcast %sub3A_274 : i32 to vector<24x1xi32>
    %sub3A_276 = arith.subi %div3A_249, %sub3A_275 : vector<24x1xi32>
    %select_n3A_277 = arith.select %and3A_273, %sub3A_276, %div3A_249 : vector<24x1xi1>, vector<24x1xi32>
    %jit3A_278 = arith.constant 0 : i32
    %broadcast_in_dim3A_279 = vector.broadcast %jit3A_278 : i32 to vector<24x1xi32>
    %select_n3A_280 = arith.select %ge3A_196, %select_n3A_277, %broadcast_in_dim3A_279 : vector<24x1xi1>, vector<24x1xi32>
    %swap3A_281 = arith.constant 0 : index
    %swap3A_282 = arith.constant 0 : index
    %swap3A_283 = vector.load %arg9[%swap3A_281, %swap3A_282] : memref<24x8xi32, #tpu.memory_space<vmem>>, vector<24x1xi32>
    tpu.vector_store %arg9[%swap3A_281, %swap3A_282], %select_n3A_206 {strides = array<i32>} : memref<24x8xi32, #tpu.memory_space<vmem>>, vector<24x1xi32>,
    %swap3A_284 = arith.constant 0 : index
    %swap3A_285 = arith.constant 1 : index
    %swap3A_286 = vector.load %arg9[%swap3A_284, %swap3A_285] : memref<24x8xi32, #tpu.memory_space<vmem>>, vector<24x1xi32>
    tpu.vector_store %arg9[%swap3A_284, %swap3A_285], %select_n3A_231 {strides = array<i32>} : memref<24x8xi32, #tpu.memory_space<vmem>>, vector<24x1xi32>,
    %swap3A_287 = arith.constant 0 : index
    %swap3A_288 = arith.constant 2 : index
    %swap3A_289 = vector.load %arg9[%swap3A_287, %swap3A_288] : memref<24x8xi32, #tpu.memory_space<vmem>>, vector<24x1xi32>
    tpu.vector_store %arg9[%swap3A_287, %swap3A_288], %select_n3A_241 {strides = array<i32>} : memref<24x8xi32, #tpu.memory_space<vmem>>, vector<24x1xi32>,
    %swap3A_290 = arith.constant 0 : index
    %swap3A_291 = arith.constant 3 : index
    %swap3A_292 = vector.load %arg9[%swap3A_290, %swap3A_291] : memref<24x8xi32, #tpu.memory_space<vmem>>, vector<24x1xi32>
    tpu.vector_store %arg9[%swap3A_290, %swap3A_291], %select_n3A_246 {strides = array<i32>} : memref<24x8xi32, #tpu.memory_space<vmem>>, vector<24x1xi32>,
    %swap3A_293 = arith.constant 0 : index
    %swap3A_294 = arith.constant 4 : index
    %swap3A_295 = vector.load %arg9[%swap3A_293, %swap3A_294] : memref<24x8xi32, #tpu.memory_space<vmem>>, vector<24x1xi32>
    tpu.vector_store %arg9[%swap3A_293, %swap3A_294], %select_n3A_280 {strides = array<i32>} : memref<24x8xi32, #tpu.memory_space<vmem>>, vector<24x1xi32>,
    %broadcast_in_dim3A_296 = arith.constant 0 : i32
    %broadcast_in_dim3A_297 = vector.broadcast %broadcast_in_dim3A_296 : i32 to vector<24x3xi32>
    %swap3A_298 = arith.constant 0 : index
    %swap3A_299 = arith.constant 5 : index
    %swap3A_300 = vector.load %arg9[%swap3A_298, %swap3A_299] : memref<24x8xi32, #tpu.memory_space<vmem>>, vector<24x3xi32>
    tpu.vector_store %arg9[%swap3A_298, %swap3A_299], %broadcast_in_dim3A_297 {strides = array<i32>} : memref<24x8xi32, #tpu.memory_space<vmem>>, vector<24x3xi32>,
    return
  }
  func.func @transform_0(%arg0: i32) -> (i32, i32) {
    %c0_i32 = arith.constant 0 : i32
    %c0_i32_0 = arith.constant 0 : i32
    %c0_i32_1 = arith.constant 0 : i32
    return %c0_i32, %c0_i32_0 : i32, i32
  }
  func.func @transform_1(%arg0: i32) -> (i32, i32) {
    %c0_i32 = arith.constant 0 : i32
    %c0_i32_0 = arith.constant 0 : i32
    %c0_i32_1 = arith.constant 0 : i32
    return %c0_i32, %c0_i32_0 : i32, i32
  }
  func.func @transform_2(%arg0: i32) -> (i32, i32) {
    %c0_i32 = arith.constant 0 : i32
    %c0_i32_0 = arith.constant 0 : i32
    %c0_i32_1 = arith.constant 0 : i32
    return %c0_i32, %c0_i32_0 : i32, i32
  }
  func.func @transform_3(%arg0: i32) -> (i32, i32) {
    %c0_i32 = arith.constant 0 : i32
    %c0_i32_0 = arith.constant 0 : i32
    %c0_i32_1 = arith.constant 0 : i32
    return %c0_i32, %c0_i32_0 : i32, i32
  }
  func.func @transform_4(%arg0: i32) -> (i32, i32) {
    %c0_i32 = arith.constant 0 : i32
    %c0_i32_0 = arith.constant 0 : i32
    %c0_i32_1 = arith.constant 0 : i32
    return %c0_i32, %c0_i32_0 : i32, i32
  }
  func.func @transform_5(%arg0: i32) -> (i32, i32) {
    %c0_i32 = arith.constant 0 : i32
    %c0_i32_0 = arith.constant 0 : i32
    %c0_i32_1 = arith.constant 0 : i32
    return %c0_i32, %c0_i32_0 : i32, i32
  }
  func.func @transform_6(%arg0: i32) -> (i32, i32) {
    %c0_i32 = arith.constant 0 : i32
    %c0_i32_0 = arith.constant 0 : i32
    %c0_i32_1 = arith.constant 0 : i32
    return %c0_i32, %c0_i32_0 : i32, i32
  }
  func.func @transform_7(%arg0: i32) -> (i32, i32) {
    %c0_i32 = arith.constant 0 : i32
    %c0_i32_0 = arith.constant 0 : i32
    %c0_i32_1 = arith.constant 0 : i32
    return %c0_i32, %c0_i32_0 : i32, i32
  }
  func.func @transform_8(%arg0: i32) -> (i32, i32) {
    %c0_i32 = arith.constant 0 : i32
    %c0_i32_0 = arith.constant 0 : i32
    %c0_i32_1 = arith.constant 0 : i32
    return %c0_i32, %c0_i32_0 : i32, i32
  }
}

module attributes {stable_mosaic.version = 14 : i64} {
  func.func @_gmm_body(%arg0: i32, %arg1: memref<24x8xi32, #tpu.memory_space<smem>>, %arg2: memref<512x1024xf32, #tpu.memory_space<vmem>>, %arg3: memref<1x384x1024xf32, #tpu.memory_space<vmem>>, %arg4: memref<1x384x1024xf32, #tpu.memory_space<vmem>>, %arg5: memref<1x1024x384xf32, #tpu.memory_space<vmem>>, %arg6: memref<512x1024xf32, #tpu.memory_space<vmem>>) attributes {dimension_semantics = [#tpu.dimension_semantics<arbitrary>], iteration_bounds = array<i64: 16>, scalar_prefetch = 1 : i64, scratch_operands = 0 : i64, tpu.core_type = #tpu.core_type<tc>, window_params = [{transform_indices = @transform_0, window_bounds = array<i64: 512, 1024>}, {transform_indices = @transform_1, window_bounds = array<i64: 1, 384, 1024>}, {transform_indices = @transform_2, window_bounds = array<i64: 1, 384, 1024>}, {transform_indices = @transform_3, window_bounds = array<i64: 1, 1024, 384>}, {transform_indices = @transform_4, window_bounds = array<i64: 512, 1024>}]} {
    %get3A = arith.index_cast %arg0 : i32 to index
    %get3A_0 = arith.constant 2 : index
    %get3A_1 = memref.load %arg1[%get3A, %get3A_0] : memref<24x8xi32, #tpu.memory_space<smem>>
    %eq3A = arith.constant 1 : i32
    %eq3A_2 = arith.cmpi eq, %get3A_1, %eq3A : i32
    %convert_element_type3A = arith.extui %eq3A_2 : i1 to i32
    %cond3A = arith.constant 0 : i32
    %cond3A_3 = arith.cmpi ne, %convert_element_type3A, %cond3A : i32
    scf.if %cond3A_3 {
      %get3A_4 = arith.constant 0 : index
      %get3A_5 = arith.constant 0 : index
      %get3A_6 = vector.load %arg2[%get3A_4, %get3A_5] : memref<512x1024xf32, #tpu.memory_space<vmem>>, vector<512x1024xf32>
      %convert_element_type3A_7 = arith.truncf %get3A_6 : vector<512x1024xf32> to vector<512x1024xbf16>
      %get3A_8 = arith.constant 0 : index
      %get3A_9 = arith.constant 0 : index
      %get3A_10 = arith.constant 0 : index
      %get3A_11 = vector.load %arg3[%get3A_8, %get3A_9, %get3A_10] : memref<1x384x1024xf32, #tpu.memory_space<vmem>>, vector<1x384x1024xf32>
      %get3A_12 = vector.shape_cast %get3A_11 : vector<1x384x1024xf32> to vector<384x1024xf32>
      %convert_element_type3A_13 = arith.truncf %get3A_12 : vector<384x1024xf32> to vector<384x1024xbf16>
      %get3A_14 = arith.constant 0 : index
      %get3A_15 = arith.constant 0 : index
      %get3A_16 = arith.constant 0 : index
      %get3A_17 = vector.load %arg4[%get3A_14, %get3A_15, %get3A_16] : memref<1x384x1024xf32, #tpu.memory_space<vmem>>, vector<1x384x1024xf32>
      %get3A_18 = vector.shape_cast %get3A_17 : vector<1x384x1024xf32> to vector<384x1024xf32>
      %convert_element_type3A_19 = arith.truncf %get3A_18 : vector<384x1024xf32> to vector<384x1024xbf16>
      %get3A_20 = arith.constant 0 : index
      %get3A_21 = arith.constant 0 : index
      %get3A_22 = arith.constant 0 : index
      %get3A_23 = vector.load %arg5[%get3A_20, %get3A_21, %get3A_22] : memref<1x1024x384xf32, #tpu.memory_space<vmem>>, vector<1x1024x384xf32>
      %get3A_24 = vector.shape_cast %get3A_23 : vector<1x1024x384xf32> to vector<1024x384xf32>
      %convert_element_type3A_25 = arith.truncf %get3A_24 : vector<1024x384xf32> to vector<1024x384xbf16>
      %dot_general3A = arith.constant dense<0.000000e+00> : vector<512x384xf32>
      %dot_general3A_26 = tpu.matmul %convert_element_type3A_7, %convert_element_type3A_13, %dot_general3A {dimension_numbers = #tpu.dot_dimension_numbers<[1], [1], [0], [0], [0, 0, 1, 0], [], []>, transpose_lhs_hint = false} : vector<512x1024xbf16>, vector<384x1024xbf16>, vector<512x384xf32> -> vector<512x384xf32>
      %dot_general3A_27 = arith.constant dense<0.000000e+00> : vector<512x384xf32>
      %dot_general3A_28 = tpu.matmul %convert_element_type3A_7, %convert_element_type3A_19, %dot_general3A_27 {dimension_numbers = #tpu.dot_dimension_numbers<[1], [1], [0], [0], [0, 0, 1, 0], [], []>, transpose_lhs_hint = false} : vector<512x1024xbf16>, vector<384x1024xbf16>, vector<512x384xf32> -> vector<512x384xf32>
      %logistic3A = arith.negf %dot_general3A_26 : vector<512x384xf32>
      %logistic3A_29 = math.exp %logistic3A : vector<512x384xf32>
      %logistic3A_30 = arith.constant 1.000000e+00 : f32
      %logistic3A_31 = vector.broadcast %logistic3A_30 : f32 to vector<512x384xf32>
      %logistic3A_32 = arith.addf %logistic3A_31, %logistic3A_29 : vector<512x384xf32>
      %logistic3A_33 = arith.divf %logistic3A_31, %logistic3A_32 : vector<512x384xf32>
      %mul3A = arith.mulf %dot_general3A_26, %logistic3A_33 : vector<512x384xf32>
      %mul3A_34 = arith.mulf %mul3A, %dot_general3A_28 : vector<512x384xf32>
      %convert_element_type3A_35 = arith.truncf %mul3A_34 : vector<512x384xf32> to vector<512x384xbf16>
      %dot_general3A_36 = arith.constant dense<0.000000e+00> : vector<512x1024xf32>
      %dot_general3A_37 = tpu.matmul %convert_element_type3A_35, %convert_element_type3A_25, %dot_general3A_36 {dimension_numbers = #tpu.dot_dimension_numbers<[1], [1], [0], [0], [0, 0, 1, 0], [], []>, transpose_lhs_hint = false} : vector<512x384xbf16>, vector<1024x384xbf16>, vector<512x1024xf32> -> vector<512x1024xf32>
      %swap3A = arith.constant 0 : index
      %swap3A_38 = arith.constant 0 : index
      %swap3A_39 = vector.load %arg6[%swap3A, %swap3A_38] : memref<512x1024xf32, #tpu.memory_space<vmem>>, vector<512x1024xf32>
      tpu.vector_store %arg6[%swap3A, %swap3A_38], %dot_general3A_37 {strides = array<i32>} : memref<512x1024xf32, #tpu.memory_space<vmem>>, vector<512x1024xf32>,
    } else {
    }
    return
  }
  func.func @transform_0(%arg0: i32, %arg1: memref<24x8xi32, #tpu.memory_space<smem>>) -> (i32, i32) {
    %get3A = arith.index_cast %arg0 : i32 to index
    %get3A_0 = arith.constant 0 : index
    %get3A_1 = memref.load %arg1[%get3A, %get3A_0] : memref<24x8xi32, #tpu.memory_space<smem>>
    %c0_i32 = arith.constant 0 : i32
    %c0_i32_2 = arith.constant 0 : i32
    return %get3A_1, %c0_i32 : i32, i32
  }
  func.func @transform_1(%arg0: i32, %arg1: memref<24x8xi32, #tpu.memory_space<smem>>) -> (i32, i32, i32) {
    %get3A = arith.index_cast %arg0 : i32 to index
    %get3A_0 = arith.constant 3 : index
    %get3A_1 = memref.load %arg1[%get3A, %get3A_0] : memref<24x8xi32, #tpu.memory_space<smem>>
    %c0_i32 = arith.constant 0 : i32
    %c0_i32_2 = arith.constant 0 : i32
    %c0_i32_3 = arith.constant 0 : i32
    return %get3A_1, %c0_i32, %c0_i32_2 : i32, i32, i32
  }
  func.func @transform_2(%arg0: i32, %arg1: memref<24x8xi32, #tpu.memory_space<smem>>) -> (i32, i32, i32) {
    %get3A = arith.index_cast %arg0 : i32 to index
    %get3A_0 = arith.constant 3 : index
    %get3A_1 = memref.load %arg1[%get3A, %get3A_0] : memref<24x8xi32, #tpu.memory_space<smem>>
    %c0_i32 = arith.constant 0 : i32
    %c0_i32_2 = arith.constant 0 : i32
    %c0_i32_3 = arith.constant 0 : i32
    return %get3A_1, %c0_i32, %c0_i32_2 : i32, i32, i32
  }
  func.func @transform_3(%arg0: i32, %arg1: memref<24x8xi32, #tpu.memory_space<smem>>) -> (i32, i32, i32) {
    %get3A = arith.index_cast %arg0 : i32 to index
    %get3A_0 = arith.constant 3 : index
    %get3A_1 = memref.load %arg1[%get3A, %get3A_0] : memref<24x8xi32, #tpu.memory_space<smem>>
    %c0_i32 = arith.constant 0 : i32
    %c0_i32_2 = arith.constant 0 : i32
    %c0_i32_3 = arith.constant 0 : i32
    return %get3A_1, %c0_i32, %c0_i32_2 : i32, i32, i32
  }
  func.func @transform_4(%arg0: i32, %arg1: memref<24x8xi32, #tpu.memory_space<smem>>) -> (i32, i32) {
    %get3A = arith.index_cast %arg0 : i32 to index
    %get3A_0 = arith.constant 0 : index
    %get3A_1 = memref.load %arg1[%get3A, %get3A_0] : memref<24x8xi32, #tpu.memory_space<smem>>
    %c0_i32 = arith.constant 0 : i32
    %c0_i32_2 = arith.constant 0 : i32
    return %get3A_1, %c0_i32 : i32, i32
  }
}

module attributes {stable_mosaic.version = 14 : i64} {
  func.func @_combine_body(%arg0: i32, %arg1: memref<512x1024xbf16, #tpu.memory_space<vmem>>, %arg2: memref<512x1024xf32, #tpu.memory_space<vmem>>, %arg3: memref<512x1024xf32, #tpu.memory_space<vmem>>, %arg4: memref<512x1xf32, #tpu.memory_space<vmem>>, %arg5: memref<512x1xf32, #tpu.memory_space<vmem>>, %arg6: memref<512x1024xf32, #tpu.memory_space<vmem>>) attributes {dimension_semantics = [#tpu.dimension_semantics<arbitrary>], iteration_bounds = array<i64: 4>, scalar_prefetch = 0 : i64, scratch_operands = 0 : i64, tpu.core_type = #tpu.core_type<tc>, window_params = [{transform_indices = @transform_0, window_bounds = array<i64: 512, 1024>}, {transform_indices = @transform_1, window_bounds = array<i64: 512, 1024>}, {transform_indices = @transform_2, window_bounds = array<i64: 512, 1024>}, {transform_indices = @transform_3, window_bounds = array<i64: 512, 1>}, {transform_indices = @transform_4, window_bounds = array<i64: 512, 1>}, {transform_indices = @transform_5, window_bounds = array<i64: 512, 1024>}]} {
    %get3A = arith.constant 0 : index
    %get3A_0 = arith.constant 0 : index
    %get3A_1 = vector.load %arg1[%get3A, %get3A_0] : memref<512x1024xbf16, #tpu.memory_space<vmem>>, vector<512x1024xbf16>
    %convert_element_type3A = arith.extf %get3A_1 : vector<512x1024xbf16> to vector<512x1024xf32>
    %get3A_2 = arith.constant 0 : index
    %get3A_3 = arith.constant 0 : index
    %get3A_4 = vector.load %arg4[%get3A_2, %get3A_3] : memref<512x1xf32, #tpu.memory_space<vmem>>, vector<512x1xf32>
    %get3A_5 = arith.constant 0 : index
    %get3A_6 = arith.constant 0 : index
    %get3A_7 = vector.load %arg2[%get3A_5, %get3A_6] : memref<512x1024xf32, #tpu.memory_space<vmem>>, vector<512x1024xf32>
    %mul3A = vector.broadcast %get3A_4 : vector<512x1xf32> to vector<512x1024xf32>
    %mul3A_8 = arith.mulf %mul3A, %get3A_7 : vector<512x1024xf32>
    %add3A = arith.addf %convert_element_type3A, %mul3A_8 : vector<512x1024xf32>
    %get3A_9 = arith.constant 0 : index
    %get3A_10 = arith.constant 0 : index
    %get3A_11 = vector.load %arg5[%get3A_9, %get3A_10] : memref<512x1xf32, #tpu.memory_space<vmem>>, vector<512x1xf32>
    %get3A_12 = arith.constant 0 : index
    %get3A_13 = arith.constant 0 : index
    %get3A_14 = vector.load %arg3[%get3A_12, %get3A_13] : memref<512x1024xf32, #tpu.memory_space<vmem>>, vector<512x1024xf32>
    %mul3A_15 = vector.broadcast %get3A_11 : vector<512x1xf32> to vector<512x1024xf32>
    %mul3A_16 = arith.mulf %mul3A_15, %get3A_14 : vector<512x1024xf32>
    %add3A_17 = arith.addf %add3A, %mul3A_16 : vector<512x1024xf32>
    %swap3A = arith.constant 0 : index
    %swap3A_18 = arith.constant 0 : index
    %swap3A_19 = vector.load %arg6[%swap3A, %swap3A_18] : memref<512x1024xf32, #tpu.memory_space<vmem>>, vector<512x1024xf32>
    tpu.vector_store %arg6[%swap3A, %swap3A_18], %add3A_17 {strides = array<i32>} : memref<512x1024xf32, #tpu.memory_space<vmem>>, vector<512x1024xf32>,
    return
  }
  func.func @transform_0(%arg0: i32) -> (i32, i32) {
    %c0_i32 = arith.constant 0 : i32
    %c0_i32_0 = arith.constant 0 : i32
    return %arg0, %c0_i32 : i32, i32
  }
  func.func @transform_1(%arg0: i32) -> (i32, i32) {
    %c0_i32 = arith.constant 0 : i32
    %c0_i32_0 = arith.constant 0 : i32
    return %arg0, %c0_i32 : i32, i32
  }
  func.func @transform_2(%arg0: i32) -> (i32, i32) {
    %c0_i32 = arith.constant 0 : i32
    %c0_i32_0 = arith.constant 0 : i32
    return %arg0, %c0_i32 : i32, i32
  }
  func.func @transform_3(%arg0: i32) -> (i32, i32) {
    %c0_i32 = arith.constant 0 : i32
    %c0_i32_0 = arith.constant 0 : i32
    return %arg0, %c0_i32 : i32, i32
  }
  func.func @transform_4(%arg0: i32) -> (i32, i32) {
    %c0_i32 = arith.constant 0 : i32
    %c0_i32_0 = arith.constant 0 : i32
    return %arg0, %c0_i32 : i32, i32
  }
  func.func @transform_5(%arg0: i32) -> (i32, i32) {
    %c0_i32 = arith.constant 0 : i32
    %c0_i32_0 = arith.constant 0 : i32
    return %arg0, %c0_i32 : i32, i32
  }
}

</mosaic_0001>

<sc_bundles>
// kernel: kernel.11.cloned.1.call-start
scs
__scs_entry_jumppad:
0x0: {  	(pc) =	sbr.rel $0x88, $3  }
0x1: {  	(tag) =	ssettag $0x0;
	lr =	simm.s32 $0x1  }
0x2: {  	[smem:$0x3F98] =	sst lr;
	_ =	strace $0xD0000000  }
0x3: {  	_ = 	snop  }
0x4: {  	_ = 	snop  }
0x5: {  	_ = 	snop  }
0x6: {  	_ = 	snop  }
0x7: {  	_ = 	snop  }
__scs_overlays_trampoline_lowered:
0x8: {  	[smem:$0x3FA7] =	sst s0  }
0x9: {  	[smem:$0x3FA8] =	sst s1  }
0xa: {  	[smem:$0x3FA9] =	sst s2  }
0xb: {  	[smem:$0x3FAA] =	sst s3  }
0xc: {  	[smem:$0x3FAB] =	sst s4  }
0xd: {  	[smem:$0x3FAC] =	sst s5  }
0xe: {  	[smem:$0x3FAD] =	sst s6  }
0xf: {  	[smem:$0x3FAE] =	sst s7  }
0x10: {  	[smem:$0x3FAF] =	sst s8  }
0x11: {  	[smem:$0x3FB0] =	sst s9;
	s0 =	simm.s32 @!p0 $0x0  }
0x12: {  	s1 =	sld [smem:$0x3F96];
	s0 =	simm.s32 @p0 $0x1  }
0x13: {  	[smem:$0x3FB1] =	sst s0;
	s0 =	simm.s32 @!p1 $0x0  }
0x14: {  	s2 =	sld [smem:$0x3F95];
	s0 =	simm.s32 @p1 $0x1  }
0x15: {  	[smem:$0x3FB2] =	sst s0;
	s0 =	simm.s32 @!p2 $0x0  }
0x16: {  	s3 =	sld [smem:$0x3FDB];
	s0 =	simm.s32 @p2 $0x1  }
0x17: {  	s4 =	simm.s32 $0x1BF5;
	[smem:$0x3FB4] =	sst s0  }
0x18: {  	s0 =	sld [smem:$0x3F97];
	_ =	swait.ge [sflag:s4], $0x0  }
0x19: {  	s7 =	sld [smem:$0x3F98]  }
0x1a: {  	s8 =	sadd.s32 $0xFFFFE003, lr  }
0x1b: {  	s9 =	sadd.s32 $0xFFFFFEF7, lr;
	s5 =	simm.s32 $0xFFFFFFFF;
	p2 =	slt.u32 s8, $0xFFFFF086  }
0x1c: {  	p1 =	slt.u32 s9, $0xF7A;
	s5 =	simm.s32 @!p2 $0x0  }
0x1d: {  	s5 =	simm.s32 @p1 $0x1;
	p0 =	seq.s32 s7, s2  }
0x1e: {  	s7 =	smul.u32 @!p0 $0xF7A, s2;
	p2 =	seq.s32 @!p0 s5, $0x0  }
0x1f: {  	s9 =	smul.u32 $0xF7A, s1;
	s8 =	simm.s32 @!p0 $0x1BF5;
	p2 =	por !p2, p0  }
0x20: {  	[sflag:s8] =	ssyncset.s32 @!p0 $0xFFFFF086;
	s6 =	sadd.s32 @!p0 s3, s7;
	s7 =	simm.s32 @!p0 $0x108  }
0x21: {  	s3 =	sadd.s32 s3, s9;
	s6 =	sadd.s32 @!p0 $0x88, s6;
	s7 =	simm.s32 @p2 $0x1082  }
0x22: {  	[simem:s7], [sflag:s8] =	dma.local @!p0 [hbm:s6], $0xF7A  }
0x23: {  	s9 =	sor.u32 $0xD0000000, s2;
	s6 =	simm.s32 $0x108;
	_ =	swait.ge @!p0 [sflag:s8], $0x0  }
0x24: {  	s3 =	sadd.s32 $0x88, s3;
	s6 =	simm.s32 @!p1 $0x1082;
	[sflag:s4] =	ssyncset.s32 $0xFFFFF086  }
0x25: {  	[simem:s6], [sflag:s4] =	dma.local [hbm:s3], $0xF7A  }
0x26: {  	[smem:$0x3F98] =	sst s1;
	(tag) =	ssettag s2;
	_ =	strace s9  }
0x27: {  	s1 =	sld [smem:$0x3FA8]  }
0x28: {  	s2 =	sld [smem:$0x3FA9]  }
0x29: {  	s4 =	sld [smem:$0x3FAB]  }
0x2a: {  	p0 =	seq.s32 s5, $0x0;
	s5 =	sld [smem:$0x3FAC]  }
0x2b: {  	s6 =	sld [smem:$0x3FAD]  }
0x2c: {  	s7 =	sld [smem:$0x3FAE]  }
0x2d: {  	s3 =	simm.s32 $0x108;
	s8 =	sld [smem:$0x3FAF]  }
0x2e: {  	s3 =	simm.s32 @!p0 $0x1082;
	s9 =	sld [smem:$0x3FB0]  }
0x2f: {  	lr =	sadd.s32 s0, s3;
	s0 =	sld [smem:$0x3FA7]  }
0x30: {  	s3 =	sld [smem:$0x3FAA]  }
0x31: {  	[smem:$0x3FB3] =	sst s10  }
0x32: {  	s10 =	sld [smem:$0x3FB1];
	_ =	sdelay $0x3  }
0x33: {  	p0 =	seq.s32 s10, $0x1;
	s10 =	sld [smem:$0x3FB3];
	_ =	sdelay $0x3  }
0x34: {  	[smem:$0x3FB3] =	sst s10  }
0x35: {  	s10 =	sld [smem:$0x3FB2];
	_ =	sdelay $0x3  }
0x36: {  	p1 =	seq.s32 s10, $0x1;
	s10 =	sld [smem:$0x3FB3];
	_ =	sdelay $0x3  }
0x37: {  	[smem:$0x3FB3] =	sst s10  }
0x38: {  	s10 =	sld [smem:$0x3FB4]  }
0x39: {  	_ = 	snop;
	(pc) =	sbr.ind lr, $3  }
0x3a: {  	_ = 	snop  }
0x3b: {  	_ = 	snop  }
0x3c: {  	p2 =	seq.s32 s10, $0x1;
	s10 =	sld [smem:$0x3FB3]  }
0x3d: {  	_ =	shalt  }
0x3e: {  	_ =	shalt  }
0x3f: {  	_ =	shalt  }
0x40: {  	_ =	shalt  }
0x41: {  	_ =	shalt  }
0x42: {  	_ =	shalt  }
0x43: {  	_ =	shalt  }
0x44: {  	_ =	shalt  }
0x45: {  	_ =	shalt  }
0x46: {  	_ =	shalt  }
0x47: {  	_ =	shalt  }
0x48: {  	_ =	shalt  }
0x49: {  	_ =	shalt  }
0x4a: {  	_ =	shalt  }
0x4b: {  	_ =	shalt  }
0x4c: {  	_ =	shalt  }
0x4d: {  	_ =	shalt  }
0x4e: {  	_ =	shalt  }
0x4f: {  	_ =	shalt  }
0x50: {  	_ =	shalt  }
0x51: {  	_ =	shalt  }
0x52: {  	_ =	shalt  }
0x53: {  	_ =	shalt  }
0x54: {  	_ =	shalt  }
0x55: {  	_ =	shalt  }
0x56: {  	_ =	shalt  }
0x57: {  	_ =	shalt  }
0x58: {  	_ =	shalt  }
0x59: {  	_ =	shalt  }
0x5a: {  	_ =	shalt  }
0x5b: {  	_ =	shalt  }
0x5c: {  	_ =	shalt  }
0x5d: {  	_ =	shalt  }
0x5e: {  	_ =	shalt  }
0x5f: {  	_ =	shalt  }
0x60: {  	_ =	shalt  }
0x61: {  	_ =	shalt  }
0x62: {  	_ =	shalt  }
0x63: {  	_ =	shalt  }
0x64: {  	_ =	shalt  }
0x65: {  	_ =	shalt  }
0x66: {  	_ =	shalt  }
0x67: {  	_ =	shalt  }
0x68: {  	_ =	shalt  }
0x69: {  	_ =	shalt  }
0x6a: {  	_ =	shalt  }
0x6b: {  	_ =	shalt  }
0x6c: {  	_ =	shalt  }
0x6d: {  	_ =	shalt  }
0x6e: {  	_ =	shalt  }
0x6f: {  	_ =	shalt  }
0x70: {  	_ =	shalt  }
0x71: {  	_ =	shalt  }
0x72: {  	_ =	shalt  }
0x73: {  	_ =	shalt  }
0x74: {  	_ =	shalt  }
0x75: {  	_ =	shalt  }
0x76: {  	_ =	shalt  }
0x77: {  	_ =	shalt  }
0x78: {  	_ =	shalt  }
0x79: {  	_ =	shalt  }
0x7a: {  	_ =	shalt  }
0x7b: {  	_ =	shalt  }
0x7c: {  	_ =	shalt  }
0x7d: {  	_ =	shalt  }
0x7e: {  	_ =	shalt  }
0x7f: {  	_ =	shalt  }
0x80: {  	_ =	shalt  }
0x81: {  	_ =	shalt  }
0x82: {  	_ =	shalt  }
0x83: {  	_ =	shalt  }
0x84: {  	_ =	shalt  }
0x85: {  	_ =	shalt  }
0x86: {  	_ =	shalt  }
0x87: {  	_ =	shalt  }
.Lfunc_end0:
.L_simem_size_0:
called_computation.1_lowered:
.L_overlay_start_0:
0x88: {  	s2 =	sld [smem:$0x3FD9]  }
0x89: {  	s3 =	sld [smem:$0x3FFE];
	_ =	sdelay $0x1  }
0x8a: {  	s1 =	srdreg.scid  }
0x8b: {  	s0 =	sand.u32 $0x1, s1  }
0x8c: {  	s14 =	sshll.u32 s0, $0xA;
	s2 =	sadd.s32 s3, s2  }
0x8d: {  	s2 =	sadd.s32 s2, s14  }
0x8e: {  	[smem:$0x3FBF] =	sst s2  }
0x8f: {  	_ = 	snop  }
0x90: {  	s2 =	sld [smem:$0x3FD0];
	_ =	sdelay $0x2  }
0x91: {  	s15 =	simm.s32 $0xA;
	s4 =	simm.s32 $0x10  }
0x92: {  	[smem:s4], [sflag:s15] =	dma.local [hbm:s2], $0x1  }
0x93: {  	_ =	swait.eq [sflag:s15], $0x1  }
0x94: {  	[sflag:s15] =	ssyncset.done $0x0  }
0x95: {  	[sflag:s15] =	ssyncadd.s32 $0xFFFFFFFF  }
0x96: {  	s16 =	sld [smem:$0x10];
	(tm) =	ssettm $0x1  }
0x97: {  	s17 =	sld [smem:$0x3FFB];
	_ =	sdelay $0x3  }
0x98: {  	_ =	strace s17  }
0x99: {  	s3 =	sld [smem:$0x3FFC];
	_ =	sdelay $0x3  }
0x9a: {  	_ =	strace s3  }
0x9b: {  	s3 =	sld [smem:$0x3FFD];
	_ =	sdelay $0x3  }
0x9c: {  	_ =	strace s3  }
0x9d: {  	_ =	strace $0x8FFFFFFF  }
0x9e: {  	s18 =	sld [smem:$0x3FDB];
	_ =	sdelay $0x1  }
0x9f: {  	s19 =	simm.s32 $_scs_section_size  }
0xa0: {  	s5 =	simm.s32 $_size__tile_overlayer_lowered;
	s6 =	simm.s32 $_tile_overlayer_lowered  }
0xa1: {  	s22 =	simm.s32 $0x1BFF;
	s21 =	sshll.u32 s6, $0x1;
	s3 =	sadd.s32 s19, s18  }
0xa2: {  	s7 =	simm.s32 $0x0;
	s20 =	sshll.u32 s5, $0x1;
	s5 =	sadd.s32 s21, s3  }
0xa3: {  	[timem:s7], [sflag:s22] =	dma.local [hbm:s5], s20  }
0xa4: {  	_ =	swait.ge [sflag:s22], s20  }
0xa5: {  	s4 =	ssub.s32 $0x0, s20;
	[sflag:s22] =	ssyncset.done $0x0  }
0xa6: {  	[sflag:s22] =	ssyncadd.s32 s4;
	_ =	sdelay $0x1  }
0xa7: {  	s23 =	simm.s32 $0x1B8B  }
0xa8: {  	_ =	swait.ge [sflag:s23], $0x1  }
0xa9: {  	[sflag:s23] =	ssyncset.done $0x0  }
0xaa: {  	s25 =	simm.s32 $0x1B8E;
	s24 =	sld [smem:$0x3FFE];
	[sflag:s23] =	ssyncadd.s32 $0xFFFFFFFF  }
0xab: {  	s26 =	simm.s32 $execute0_lowered;
	[smem:$0x3FD2] =	sst s25  }
0xac: {  	s5 =	sshll.u32 s26, $0x1;
	_ =	strace $0x80000049;
	[dreg:$0x1] =	wrdreg $0xFFFFFFFF  }
0xad: {  	s28 =	simm.s32 $_size_execute0_lowered;
	s3 =	sadd.s32 s3, s5;
	[dreg:$0x0] =	wrdreg $0x0  }
0xae: {  	s5 =	sshll.u32 s28, $0x1;
	[dreg:$0x2] =	wrdreg s3  }
0xaf: {  	[dreg:$0x3] =	wrdreg s5  }
0xb0: {  	[dreg:$0x4] =	wrdreg $0xC0  }
0xb1: {  	_ =	task [dreg:s7], $0x5FFFF  }
0xb2: {  	[dreg:$0x1] =	wrdreg $0xFFFFFFFF  }
0xb3: {  	[dreg:$0x0] =	wrdreg $0x60  }
0xb4: {  	[dreg:$0x2] =	wrdreg s24  }
0xb5: {  	[dreg:$0x3] =	wrdreg s16  }
0xb6: {  	[dreg:$0x4] =	wrdreg $0x9  }
0xb7: {  	_ =	task.clear_ibuf [dreg:s7], $0x5FFFF;
	_ =	strace $0x90000049  }
0xb8: {  	s29 =	simm.s32 $0x9;
	_ =	strace $0x8000004B  }
0xb9: {  	_ =	swait.ge [sflag:s29], $0x1  }
0xba: {  	[sflag:s29] =	ssyncadd.s32 $0xFFFFFFFF  }
0xbb: {  	_ =	strace $0x9000004B  }
0xbc: {  	_ =	sfence  }
0xbd: {  	s30 =	sld [smem:$0x0];
	_ =	sdelay $0x2  }
0xbe: {  	s31 =	sshll.u32 s1, $0xD;
	s1 =	sshrl.u32 s1, $0x2  }
0xbf: {  	s3 =	sand.u32 $0x4000, s31;
	s1 =	sadd.s32 s1, s30  }
0xc0: {  	s0 =	sor.u32 s3, s0;
	s1 =	sshll.u32 s1, $0x11  }
0xc1: {  	s0 =	sor.u32 s1, s0  }
0xc2: {  	s0 =	sadd.s32 $0x8F2B, s0  }
0xc3: {  	[sflag:s0] =	ssyncadd.remote.s32 $0x1  }
0xc4: {  	_ =	sfence.sel $0xFFFF  }
0xc5: {  	[dreg:$0x0] =	wrdreg $0xFFFFFFFF;
	(pc) =	sbr.abs _section_cstart, $3  }
0xc6: {  	[dreg:$0x1] =	wrdreg $0xFFFFFFFF  }
0xc7: {  	_ =	task.clear_ibuf [dreg:s7], $0x2FFFF;
	_ =	strace $0x9FFFFFFF  }
0xc8: {  	(tm) =	ssettm $0x7FFFFFFF  }
0xc9: {  	_ =	shalt  }
tec
execute0_lowered:
.L_overlay_start_1:
0x0: {  	(tag) =	ssettag $0x1  }
0x1: {  	s0 =	rddreg [dreg:$0x0]  }
0x2: {  	s1 =	rddreg [dreg:$0x1]  }
0x3: {  	s2 =	srdreg.scid;
	s4 =	stileid.u32;
	s25 =	simm.s32 $0x10000  }
0x4: {  	s26 =	simm.s32 $0x10080;
	s16 =	simm.s32 $0x1;
	s17 =	simm.s32 $0x2  }
0x5: {  	s18 =	simm.s32 $0x3;
	s19 =	simm.s32 $0x4;
	s28 =	simm.s32 $0x2800  }
0x6: {  	s29 =	simm.s32 $0x3000;
	s30 =	simm.s32 $0x3800;
	s31 =	simm.s32 $0x4000  }
0x7: {  	s11 =	simm.s32 $0x6800;
	s12 =	simm.s32 $0x7000;
	s13 =	simm.s32 $0x7800  }
0x8: {  	s14 =	simm.s32 $0x8800;
	s15 =	simm.s32 $0x9000;
	s3 =	sand.u32 $0x1, s2  }
0x9: {  	s2 =	simm.s32 $0x0;
	s4 =	sshll.u32 s4, $0x7;
	s8 =	sadd.s32 $0x2A00, s0  }
0xa: {  	s5 =	sshll.u32 s3, $0x6;
	[smem:$0x7FF] =	sst s2;
	s6 =	ssub.s32 $0x2, s3  }
0xb: {  	s3 =	sadd.s32 $0x102A00, s0;
	_ =	strace $0x8000004A;
	[dreg:$0x9] =	wrdreg s25  }
0xc: {  	s4 =	sor.u32 s5, s4;
	s7 =	sshrl.u32 s6, $0x1;
	[dreg:$0xa] =	wrdreg s26  }
0xd: {  	s25 =	simm.s32 $0x1800;
	s26 =	simm.s32 $0x2000;
	s5 =	sshrl.u32 s4, $0x3  }
0xe: {  	s7 =	ssub.s32 s6, s7;
	s22 =	sshll.u32 s4, $0x7;
	s4 =	sadd.s32 $0x102B00, s0  }
0xf: {  	s6 =	sadd.s32 $0x102D00, s0;
	s5 =	sadd.s32 s5, s0;
	s23 =	sadd.s32 s1, s22  }
0x10: {  	s9 =	sadd.s32 s8, s22;
	s10 =	sor.u32 $0x1000, s22;
	s7 =	smax.u32 s7, $0x1  }
0x11: {  	s22 =	simm.s32 $0x800;
	s21 =	sadd.s32 $0x2600, s5;
	[dreg:$0x5] =	wrdreg s23  }
0x12: {  	s5 =	sadd.s32 $0x2800, s5;
	[dreg:$0x6] =	wrdreg s9;
	s1 =	sadd.s32 s1, s10  }
0x13: {  	s24 =	sadd.s32 s8, s10;
	s23 =	simm.s32 $0x1000;
	[dreg:$0x3] =	wrdreg s21  }
0x14: {  	v2 =	vlaneseq.u32;
	s9 =	simm.s32 $0x5800;
	s10 =	simm.s32 $0x6000;
	[dreg:$0x4] =	wrdreg s5  }
0x15: {  	vm0 =	vmmov $0xffff;
	v1 =	vshrl.u32 v2, $0x3;
	s8 =	simm.s32 $0x8000;
	s5 =	sadd.s32 $0x102C00, s0;
	[dreg:$0x7] =	wrdreg s1  }
0x16: {  	v0 =	vand.u32 $0x7, v2;
	v2 =	vor.u32 $0x8, v2;
	v1 =	vmul.u32 $0x8, v1;
	[dreg:$0x8] =	wrdreg s24;
	s1 =	simm.s32 $0x5000;
	s24 =	simm.s32 $0x9800  }
.LBB2_1:
0x17: {  	s20 =	rddreg [dreg:$0x3]  }
0x18: {  	s21 =	rddreg [dreg:$0x9];
	s0 =	simm.s32 $0x5  }
0x19: {  	[tilespmem:s21], [sflag:$0x5] =	stream.linear.gather [hbm4b:s20+s2], $0x40, $0x38;
	[tilespmem:$0x10100] =	vst v63  }
0x1a: {  	_ =	swait.ge [sflag:s0], $0x40  }
0x1b: {  	s20 =	rddreg [dreg:$0x4];
	[sflag:s0] =	ssyncset.done $0x0  }
0x1c: {  	s21 =	rddreg [dreg:$0xa];
	[sflag:s0] =	ssyncadd.s32 $0xFFFFFFC0  }
0x1d: {  	[tilespmem:s21], [sflag:$0x5] =	stream.linear.gather [hbm4b:s20+s2], $0x40, $0x38;
	[tilespmem:$0x10100] =	vst v63  }
0x1e: {  	_ =	swait.ge [sflag:s0], $0x40  }
0x1f: {  	[sflag:s0] =	ssyncset.done $0x0  }
0x20: {  	[sflag:s0] =	ssyncadd.s32 $0xFFFFFFC0  }
0x21: {  	v3 =	vld [tilespmem:$0x10000];
	_ =	sdelay $0x4  }
0x22: {  	v4 =	vshll.u32 v3, $0x3  }
0x23: {  	v3 =	vand.u32 $0x7, v3;
	v4 =	vand.u32 $0xFFFFFFC0, v4  }
0x24: {  	v3 =	vor.u32 v3, v4  }
0x25: {  	v4 =	vperm.xlane v3, v0;
	_ =	sdelay $0x1  }
0x26: {  	v4 =	vadd.s32 v1, v4;
	_ =	sdelay $0x4  }
0x27: {  	[tilespmem:s2], [sflag:$0x1] =	stream.indirect_vreg.gather [hbm4b:s3+s2], $0x80, v4, vm0, $0xb8;
	[tilespmem:$0x10100] =	vst v63  }
0x28: {  	v3 =	vperm.xlane v3, v2  }
0x29: {  	[tilespmem:s22], [sflag:$0x1] =	stream.indirect_vreg.gather [hbm4b:s4+s2], $0x80, v4, vm0, $0xb8;
	[tilespmem:$0x10100] =	vst v63  }
0x2a: {  	v3 =	vadd.s32 v1, v3  }
0x2b: {  	[tilespmem:s23], [sflag:$0x1] =	stream.indirect_vreg.gather [hbm4b:s5+s2], $0x80, v4, vm0, $0xb8;
	[tilespmem:$0x10100] =	vst v63  }
0x2c: {  	_ = 	snop  }
0x2d: {  	[tilespmem:s25], [sflag:$0x1] =	stream.indirect_vreg.gather [hbm4b:s6+s2], $0x80, v4, vm0, $0xb8;
	[tilespmem:$0x10100] =	vst v63  }
0x2e: {  	_ = 	snop  }
0x2f: {  	[tilespmem:s26], [sflag:$0x1] =	stream.indirect_vreg.gather [hbm4b:s3+s2], $0x80, v3, vm0, $0xb8;
	[tilespmem:$0x10100] =	vst v63  }
0x30: {  	_ = 	snop  }
0x31: {  	[tilespmem:s28], [sflag:$0x1] =	stream.indirect_vreg.gather [hbm4b:s4+s2], $0x80, v3, vm0, $0xb8;
	[tilespmem:$0x10100] =	vst v63  }
0x32: {  	_ = 	snop  }
0x33: {  	[tilespmem:s29], [sflag:$0x1] =	stream.indirect_vreg.gather [hbm4b:s5+s2], $0x80, v3, vm0, $0xb8;
	[tilespmem:$0x10100] =	vst v63  }
0x34: {  	_ = 	snop  }
0x35: {  	[tilespmem:s30], [sflag:$0x1] =	stream.indirect_vreg.gather [hbm4b:s6+s2], $0x80, v3, vm0, $0xb8;
	[tilespmem:$0x10100] =	vst v63  }
0x36: {  	v3 =	vld [tilespmem:$0x10010];
	_ =	sdelay $0x4  }
0x37: {  	v57 =	vshll.u32 v3, $0x3  }
0x38: {  	v3 =	vand.u32 $0x7, v3;
	v4 =	vand.u32 $0xFFFFFFC0, v57  }
0x39: {  	v3 =	vor.u32 v3, v4  }
0x3a: {  	v4 =	vperm.xlane v3, v0;
	_ =	sdelay $0x1  }
0x3b: {  	v4 =	vadd.s32 v1, v4;
	_ =	sdelay $0x4  }
0x3c: {  	[tilespmem:s31], [sflag:$0x1] =	stream.indirect_vreg.gather [hbm4b:s3+s2], $0x80, v4, vm0, $0xb8;
	[tilespmem:$0x10100] =	vst v63  }
0x3d: {  	s0 =	simm.s32 $0x4800;
	v3 =	vperm.xlane v3, v2  }
0x3e: {  	[tilespmem:s0], [sflag:$0x1] =	stream.indirect_vreg.gather [hbm4b:s4+s2], $0x80, v4, vm0, $0xb8;
	[tilespmem:$0x10100] =	vst v63  }
0x3f: {  	v3 =	vadd.s32 v1, v3  }
0x40: {  	[tilespmem:s1], [sflag:$0x1] =	stream.indirect_vreg.gather [hbm4b:s5+s2], $0x80, v4, vm0, $0xb8;
	[tilespmem:$0x10100] =	vst v63  }
0x41: {  	_ = 	snop  }
0x42: {  	[tilespmem:s9], [sflag:$0x1] =	stream.indirect_vreg.gather [hbm4b:s6+s2], $0x80, v4, vm0, $0xb8;
	[tilespmem:$0x10100] =	vst v63  }
0x43: {  	_ = 	snop  }
0x44: {  	[tilespmem:s10], [sflag:$0x1] =	stream.indirect_vreg.gather [hbm4b:s3+s2], $0x80, v3, vm0, $0xb8;
	[tilespmem:$0x10100] =	vst v63  }
0x45: {  	_ = 	snop  }
0x46: {  	[tilespmem:s11], [sflag:$0x1] =	stream.indirect_vreg.gather [hbm4b:s4+s2], $0x80, v3, vm0, $0xb8;
	[tilespmem:$0x10100] =	vst v63  }
0x47: {  	_ = 	snop  }
0x48: {  	[tilespmem:s12], [sflag:$0x1] =	stream.indirect_vreg.gather [hbm4b:s5+s2], $0x80, v3, vm0, $0xb8;
	[tilespmem:$0x10100] =	vst v63  }
0x49: {  	_ = 	snop  }
0x4a: {  	[tilespmem:s13], [sflag:$0x1] =	stream.indirect_vreg.gather [hbm4b:s6+s2], $0x80, v3, vm0, $0xb8;
	[tilespmem:$0x10100] =	vst v63  }
0x4b: {  	v3 =	vld [tilespmem:$0x10080];
	_ =	sdelay $0x4  }
0x4c: {  	v58 =	vshll.u32 v3, $0x3  }
0x4d: {  	v3 =	vand.u32 $0x7, v3;
	v4 =	vand.u32 $0xFFFFFFC0, v58  }
0x4e: {  	v3 =	vor.u32 v3, v4  }
0x4f: {  	v4 =	vperm.xlane v3, v0;
	_ =	sdelay $0x1  }
0x50: {  	v4 =	vadd.s32 v1, v4;
	_ =	sdelay $0x4  }
0x51: {  	[tilespmem:s8], [sflag:$0x2] =	stream.indirect_vreg.gather [hbm4b:s3+s2], $0x80, v4, vm0, $0xb8;
	[tilespmem:$0x10100] =	vst v63  }
0x52: {  	v3 =	vperm.xlane v3, v2  }
0x53: {  	[tilespmem:s14], [sflag:$0x2] =	stream.indirect_vreg.gather [hbm4b:s4+s2], $0x80, v4, vm0, $0xb8;
	[tilespmem:$0x10100] =	vst v63  }
0x54: {  	v3 =	vadd.s32 v1, v3  }
0x55: {  	[tilespmem:s15], [sflag:$0x2] =	stream.indirect_vreg.gather [hbm4b:s5+s2], $0x80, v4, vm0, $0xb8;
	[tilespmem:$0x10100] =	vst v63  }
0x56: {  	_ = 	snop  }
0x57: {  	[tilespmem:s24], [sflag:$0x2] =	stream.indirect_vreg.gather [hbm4b:s6+s2], $0x80, v4, vm0, $0xb8;
	[tilespmem:$0x10100] =	vst v63  }
0x58: {  	s21 =	simm.s32 $0xA000  }
0x59: {  	[tilespmem:s21], [sflag:$0x2] =	stream.indirect_vreg.gather [hbm4b:s3+s2], $0x80, v3, vm0, $0xb8;
	[tilespmem:$0x10100] =	vst v63  }
0x5a: {  	s21 =	simm.s32 $0xA800  }
0x5b: {  	[tilespmem:s21], [sflag:$0x2] =	stream.indirect_vreg.gather [hbm4b:s4+s2], $0x80, v3, vm0, $0xb8;
	[tilespmem:$0x10100] =	vst v63  }
0x5c: {  	s21 =	simm.s32 $0xB000  }
0x5d: {  	[tilespmem:s21], [sflag:$0x2] =	stream.indirect_vreg.gather [hbm4b:s5+s2], $0x80, v3, vm0, $0xb8;
	[tilespmem:$0x10100] =	vst v63  }
0x5e: {  	s21 =	simm.s32 $0xB800  }
0x5f: {  	[tilespmem:s21], [sflag:$0x2] =	stream.indirect_vreg.gather [hbm4b:s6+s2], $0x80, v3, vm0, $0xb8;
	[tilespmem:$0x10100] =	vst v63  }
0x60: {  	v3 =	vld [tilespmem:$0x10090];
	_ =	sdelay $0x4  }
0x61: {  	v59 =	vshll.u32 v3, $0x3  }
0x62: {  	v3 =	vand.u32 $0x7, v3;
	v4 =	vand.u32 $0xFFFFFFC0, v59  }
0x63: {  	v3 =	vor.u32 v3, v4  }
0x64: {  	v4 =	vperm.xlane v3, v0;
	_ =	sdelay $0x1  }
0x65: {  	v4 =	vadd.s32 v1, v4;
	_ =	sdelay $0x3  }
0x66: {  	s21 =	simm.s32 $0xC000  }
0x67: {  	[tilespmem:s21], [sflag:$0x2] =	stream.indirect_vreg.gather [hbm4b:s3+s2], $0x80, v4, vm0, $0xb8;
	[tilespmem:$0x10100] =	vst v63  }
0x68: {  	v3 =	vperm.xlane v3, v2;
	s21 =	simm.s32 $0xC800  }
0x69: {  	[tilespmem:s21], [sflag:$0x2] =	stream.indirect_vreg.gather [hbm4b:s4+s2], $0x80, v4, vm0, $0xb8;
	[tilespmem:$0x10100] =	vst v63  }
0x6a: {  	v3 =	vadd.s32 v1, v3;
	s21 =	simm.s32 $0xD000  }
0x6b: {  	[tilespmem:s21], [sflag:$0x2] =	stream.indirect_vreg.gather [hbm4b:s5+s2], $0x80, v4, vm0, $0xb8;
	[tilespmem:$0x10100] =	vst v63  }
0x6c: {  	s21 =	simm.s32 $0xD800  }
0x6d: {  	[tilespmem:s21], [sflag:$0x2] =	stream.indirect_vreg.gather [hbm4b:s6+s2], $0x80, v4, vm0, $0xb8;
	[tilespmem:$0x10100] =	vst v63  }
0x6e: {  	s21 =	simm.s32 $0xE000  }
0x6f: {  	[tilespmem:s21], [sflag:$0x2] =	stream.indirect_vreg.gather [hbm4b:s3+s2], $0x80, v3, vm0, $0xb8;
	[tilespmem:$0x10100] =	vst v63  }
0x70: {  	s21 =	simm.s32 $0xE800  }
0x71: {  	[tilespmem:s21], [sflag:$0x2] =	stream.indirect_vreg.gather [hbm4b:s4+s2], $0x80, v3, vm0, $0xb8;
	[tilespmem:$0x10100] =	vst v63  }
0x72: {  	s21 =	simm.s32 $0xF000  }
0x73: {  	[tilespmem:s21], [sflag:$0x2] =	stream.indirect_vreg.gather [hbm4b:s5+s2], $0x80, v3, vm0, $0xb8;
	[tilespmem:$0x10100] =	vst v63  }
0x74: {  	s21 =	simm.s32 $0xF800  }
0x75: {  	[tilespmem:s21], [sflag:$0x2] =	stream.indirect_vreg.gather [hbm4b:s6+s2], $0x80, v3, vm0, $0xb8;
	[tilespmem:$0x10100] =	vst v63  }
0x76: {  	_ =	swait.ge [sflag:s16], $0x8000  }
0x77: {  	[sflag:s16] =	ssyncset.done $0x0  }
0x78: {  	[sflag:s16] =	ssyncadd.s32 $0xFFFF8000  }
0x79: {  	_ =	swait.ge [sflag:s17], $0x8000  }
0x7a: {  	[sflag:s17] =	ssyncset.done $0x0  }
0x7b: {  	s20 =	rddreg [dreg:$0x5];
	[sflag:s17] =	ssyncadd.s32 $0xFFFF8000  }
0x7c: {  	[hbm4b:s20+s2] =	stream.linear.scatter [tilespmem:s2], [sflag:$0x3], $0x8000, $0x38;
	[tilespmem:$0x10100] =	vst v63  }
0x7d: {  	s21 =	rddreg [dreg:$0x6]  }
0x7e: {  	[hbm4b:s21+s2] =	stream.linear.scatter [tilespmem:s8], [sflag:$0x4], $0x8000, $0x38;
	[tilespmem:$0x10100] =	vst v63  }
0x7f: {  	_ =	swait.ge [sflag:s18], $0x8000  }
0x80: {  	[sflag:s18] =	ssyncset.done $0x0  }
0x81: {  	[sflag:s18] =	ssyncadd.s32 $0xFFFF8000  }
0x82: {  	_ =	swait.ge [sflag:s19], $0x8000  }
0x83: {  	[sflag:s19] =	ssyncset.done $0x0  }
0x84: {  	[sflag:s19] =	ssyncadd.s32 $0xFFFF8000  }
0x85: {  	v3 =	vld [tilespmem:$0x10020];
	_ =	sdelay $0x4  }
0x86: {  	v60 =	vshll.u32 v3, $0x3  }
0x87: {  	v3 =	vand.u32 $0x7, v3;
	v4 =	vand.u32 $0xFFFFFFC0, v60  }
0x88: {  	v3 =	vor.u32 v3, v4  }
0x89: {  	v4 =	vperm.xlane v3, v0;
	_ =	sdelay $0x1  }
0x8a: {  	v4 =	vadd.s32 v1, v4;
	_ =	sdelay $0x4  }
0x8b: {  	[tilespmem:s2], [sflag:$0x1] =	stream.indirect_vreg.gather [hbm4b:s3+s2], $0x80, v4, vm0, $0xb8;
	[tilespmem:$0x10100] =	vst v63  }
0x8c: {  	v3 =	vperm.xlane v3, v2  }
0x8d: {  	[tilespmem:s22], [sflag:$0x1] =	stream.indirect_vreg.gather [hbm4b:s4+s2], $0x80, v4, vm0, $0xb8;
	[tilespmem:$0x10100] =	vst v63  }
0x8e: {  	v3 =	vadd.s32 v1, v3  }
0x8f: {  	[tilespmem:s23], [sflag:$0x1] =	stream.indirect_vreg.gather [hbm4b:s5+s2], $0x80, v4, vm0, $0xb8;
	[tilespmem:$0x10100] =	vst v63  }
0x90: {  	_ = 	snop  }
0x91: {  	[tilespmem:s25], [sflag:$0x1] =	stream.indirect_vreg.gather [hbm4b:s6+s2], $0x80, v4, vm0, $0xb8;
	[tilespmem:$0x10100] =	vst v63  }
0x92: {  	_ = 	snop  }
0x93: {  	[tilespmem:s26], [sflag:$0x1] =	stream.indirect_vreg.gather [hbm4b:s3+s2], $0x80, v3, vm0, $0xb8;
	[tilespmem:$0x10100] =	vst v63  }
0x94: {  	_ = 	snop  }
0x95: {  	[tilespmem:s28], [sflag:$0x1] =	stream.indirect_vreg.gather [hbm4b:s4+s2], $0x80, v3, vm0, $0xb8;
	[tilespmem:$0x10100] =	vst v63  }
0x96: {  	_ = 	snop  }
0x97: {  	[tilespmem:s29], [sflag:$0x1] =	stream.indirect_vreg.gather [hbm4b:s5+s2], $0x80, v3, vm0, $0xb8;
	[tilespmem:$0x10100] =	vst v63  }
0x98: {  	_ = 	snop  }
0x99: {  	[tilespmem:s30], [sflag:$0x1] =	stream.indirect_vreg.gather [hbm4b:s6+s2], $0x80, v3, vm0, $0xb8;
	[tilespmem:$0x10100] =	vst v63  }
0x9a: {  	v3 =	vld [tilespmem:$0x10030];
	_ =	sdelay $0x4  }
0x9b: {  	v61 =	vshll.u32 v3, $0x3  }
0x9c: {  	v3 =	vand.u32 $0x7, v3;
	v4 =	vand.u32 $0xFFFFFFC0, v61  }
0x9d: {  	v3 =	vor.u32 v3, v4  }
0x9e: {  	v4 =	vperm.xlane v3, v0;
	_ =	sdelay $0x1  }
0x9f: {  	v4 =	vadd.s32 v1, v4;
	_ =	sdelay $0x4  }
0xa0: {  	[tilespmem:s31], [sflag:$0x1] =	stream.indirect_vreg.gather [hbm4b:s3+s2], $0x80, v4, vm0, $0xb8;
	[tilespmem:$0x10100] =	vst v63  }
0xa1: {  	v3 =	vperm.xlane v3, v2  }
0xa2: {  	[tilespmem:s0], [sflag:$0x1] =	stream.indirect_vreg.gather [hbm4b:s4+s2], $0x80, v4, vm0, $0xb8;
	[tilespmem:$0x10100] =	vst v63  }
0xa3: {  	v3 =	vadd.s32 v1, v3  }
0xa4: {  	[tilespmem:s1], [sflag:$0x1] =	stream.indirect_vreg.gather [hbm4b:s5+s2], $0x80, v4, vm0, $0xb8;
	[tilespmem:$0x10100] =	vst v63  }
0xa5: {  	_ = 	snop  }
0xa6: {  	[tilespmem:s9], [sflag:$0x1] =	stream.indirect_vreg.gather [hbm4b:s6+s2], $0x80, v4, vm0, $0xb8;
	[tilespmem:$0x10100] =	vst v63  }
0xa7: {  	_ = 	snop  }
0xa8: {  	[tilespmem:s10], [sflag:$0x1] =	stream.indirect_vreg.gather [hbm4b:s3+s2], $0x80, v3, vm0, $0xb8;
	[tilespmem:$0x10100] =	vst v63  }
0xa9: {  	_ = 	snop  }
0xaa: {  	[tilespmem:s11], [sflag:$0x1] =	stream.indirect_vreg.gather [hbm4b:s4+s2], $0x80, v3, vm0, $0xb8;
	[tilespmem:$0x10100] =	vst v63  }
0xab: {  	_ = 	snop  }
0xac: {  	[tilespmem:s12], [sflag:$0x1] =	stream.indirect_vreg.gather [hbm4b:s5+s2], $0x80, v3, vm0, $0xb8;
	[tilespmem:$0x10100] =	vst v63  }
0xad: {  	_ = 	snop  }
0xae: {  	[tilespmem:s13], [sflag:$0x1] =	stream.indirect_vreg.gather [hbm4b:s6+s2], $0x80, v3, vm0, $0xb8;
	[tilespmem:$0x10100] =	vst v63  }
0xaf: {  	v3 =	vld [tilespmem:$0x100A0];
	_ =	sdelay $0x4  }
0xb0: {  	v62 =	vshll.u32 v3, $0x3  }
0xb1: {  	v3 =	vand.u32 $0x7, v3;
	v4 =	vand.u32 $0xFFFFFFC0, v62  }
0xb2: {  	v3 =	vor.u32 v3, v4  }
0xb3: {  	v4 =	vperm.xlane v3, v0;
	_ =	sdelay $0x1  }
0xb4: {  	v4 =	vadd.s32 v1, v4;
	_ =	sdelay $0x4  }
0xb5: {  	[tilespmem:s8], [sflag:$0x2] =	stream.indirect_vreg.gather [hbm4b:s3+s2], $0x80, v4, vm0, $0xb8;
	[tilespmem:$0x10100] =	vst v63  }
0xb6: {  	v3 =	vperm.xlane v3, v2  }
0xb7: {  	[tilespmem:s14], [sflag:$0x2] =	stream.indirect_vreg.gather [hbm4b:s4+s2], $0x80, v4, vm0, $0xb8;
	[tilespmem:$0x10100] =	vst v63  }
0xb8: {  	v3 =	vadd.s32 v1, v3  }
0xb9: {  	[tilespmem:s15], [sflag:$0x2] =	stream.indirect_vreg.gather [hbm4b:s5+s2], $0x80, v4, vm0, $0xb8;
	[tilespmem:$0x10100] =	vst v63  }
0xba: {  	_ = 	snop  }
0xbb: {  	[tilespmem:s24], [sflag:$0x2] =	stream.indirect_vreg.gather [hbm4b:s6+s2], $0x80, v4, vm0, $0xb8;
	[tilespmem:$0x10100] =	vst v63  }
0xbc: {  	s21 =	simm.s32 $0xA000  }
0xbd: {  	[tilespmem:s21], [sflag:$0x2] =	stream.indirect_vreg.gather [hbm4b:s3+s2], $0x80, v3, vm0, $0xb8;
	[tilespmem:$0x10100] =	vst v63  }
0xbe: {  	s20 =	simm.s32 $0xA800  }
0xbf: {  	[tilespmem:s20], [sflag:$0x2] =	stream.indirect_vreg.gather [hbm4b:s4+s2], $0x80, v3, vm0, $0xb8;
	[tilespmem:$0x10100] =	vst v63  }
0xc0: {  	s21 =	simm.s32 $0xB000  }
0xc1: {  	[tilespmem:s21], [sflag:$0x2] =	stream.indirect_vreg.gather [hbm4b:s5+s2], $0x80, v3, vm0, $0xb8;
	[tilespmem:$0x10100] =	vst v63  }
0xc2: {  	s20 =	simm.s32 $0xB800  }
0xc3: {  	[tilespmem:s20], [sflag:$0x2] =	stream.indirect_vreg.gather [hbm4b:s6+s2], $0x80, v3, vm0, $0xb8;
	[tilespmem:$0x10100] =	vst v63  }
0xc4: {  	v3 =	vld [tilespmem:$0x100B0];
	_ =	sdelay $0x4  }
0xc5: {  	v63 =	vshll.u32 v3, $0x3  }
0xc6: {  	v3 =	vand.u32 $0x7, v3;
	v4 =	vand.u32 $0xFFFFFFC0, v63  }
0xc7: {  	v3 =	vor.u32 v3, v4  }
0xc8: {  	v4 =	vperm.xlane v3, v0;
	_ =	sdelay $0x1  }
0xc9: {  	v4 =	vadd.s32 v1, v4;
	_ =	sdelay $0x3  }
0xca: {  	s21 =	simm.s32 $0xC000  }
0xcb: {  	[tilespmem:s21], [sflag:$0x2] =	stream.indirect_vreg.gather [hbm4b:s3+s2], $0x80, v4, vm0, $0xb8;
	[tilespmem:$0x10100] =	vst v63  }
0xcc: {  	s20 =	simm.s32 $0xC800;
	v3 =	vperm.xlane v3, v2  }
0xcd: {  	[tilespmem:s20], [sflag:$0x2] =	stream.indirect_vreg.gather [hbm4b:s4+s2], $0x80, v4, vm0, $0xb8;
	[tilespmem:$0x10100] =	vst v63  }
0xce: {  	v3 =	vadd.s32 v1, v3;
	s21 =	simm.s32 $0xD000  }
0xcf: {  	[tilespmem:s21], [sflag:$0x2] =	stream.indirect_vreg.gather [hbm4b:s5+s2], $0x80, v4, vm0, $0xb8;
	[tilespmem:$0x10100] =	vst v63  }
0xd0: {  	s20 =	simm.s32 $0xD800  }
0xd1: {  	[tilespmem:s20], [sflag:$0x2] =	stream.indirect_vreg.gather [hbm4b:s6+s2], $0x80, v4, vm0, $0xb8;
	[tilespmem:$0x10100] =	vst v63  }
0xd2: {  	s21 =	simm.s32 $0xE000  }
0xd3: {  	[tilespmem:s21], [sflag:$0x2] =	stream.indirect_vreg.gather [hbm4b:s3+s2], $0x80, v3, vm0, $0xb8;
	[tilespmem:$0x10100] =	vst v63  }
0xd4: {  	s20 =	simm.s32 $0xE800  }
0xd5: {  	[tilespmem:s20], [sflag:$0x2] =	stream.indirect_vreg.gather [hbm4b:s4+s2], $0x80, v3, vm0, $0xb8;
	[tilespmem:$0x10100] =	vst v63  }
0xd6: {  	s21 =	simm.s32 $0xF000  }
0xd7: {  	[tilespmem:s21], [sflag:$0x2] =	stream.indirect_vreg.gather [hbm4b:s5+s2], $0x80, v3, vm0, $0xb8;
	[tilespmem:$0x10100] =	vst v63  }
0xd8: {  	s20 =	simm.s32 $0xF800  }
0xd9: {  	[tilespmem:s20], [sflag:$0x2] =	stream.indirect_vreg.gather [hbm4b:s6+s2], $0x80, v3, vm0, $0xb8;
	[tilespmem:$0x10100] =	vst v63  }
0xda: {  	_ =	swait.ge [sflag:s16], $0x8000  }
0xdb: {  	[sflag:s16] =	ssyncset.done $0x0  }
0xdc: {  	[sflag:s16] =	ssyncadd.s32 $0xFFFF8000  }
0xdd: {  	_ =	swait.ge [sflag:s17], $0x8000  }
0xde: {  	[sflag:s17] =	ssyncset.done $0x0  }
0xdf: {  	s21 =	rddreg [dreg:$0x7];
	[sflag:s17] =	ssyncadd.s32 $0xFFFF8000  }
0xe0: {  	[hbm4b:s21+s2] =	stream.linear.scatter [tilespmem:s2], [sflag:$0x3], $0x8000, $0x38;
	[tilespmem:$0x10100] =	vst v63  }
0xe1: {  	s0 =	rddreg [dreg:$0x8]  }
0xe2: {  	[hbm4b:s0+s2] =	stream.linear.scatter [tilespmem:s8], [sflag:$0x4], $0x8000, $0x38;
	[tilespmem:$0x10100] =	vst v63  }
0xe3: {  	p0 =	sne.s32 s7, $0x1;
	_ =	swait.ge [sflag:s18], $0x8000  }
.Ltmp0:
0xe4: {  	[sflag:s18] =	ssyncset.done $0x0;
	(pc) =	sbr.rel @p0 .LBB2_1-.Ltmp0, $4  }
0xe5: {  	[sflag:s18] =	ssyncadd.s32 $0xFFFF8000  }
0xe6: {  	_ =	swait.ge [sflag:s19], $0x8000  }
0xe7: {  	[sflag:s19] =	ssyncset.done $0x0  }
0xe8: {  	s7 =	sadd.s32 $0xFFFFFFFF, s7;
	[sflag:s19] =	ssyncadd.s32 $0xFFFF8000  }
0xe9: {  	_ =	sfence.sel $0x180000  }
0xea: {  	[bflag:$0x0] =	sbarrier.arrive $0xFFFF  }
0xeb: {  	_ =	strace $0x9000004A  }
0xec: {  	s0 =	stileid.u32;
	[bflag:$0x2] =	sbarrier.arrive $0xFFFF  }
0xed: {  	p0 =	sne.s32 s0, $0x0;
	s0 =	rddreg [dreg:$0x2]  }
0xee: {  	s0 =	sadd.s32 @!p0 $0x100000, s0  }
0xef: {  	[sflag:s0] =	ssyncadd.tile.s32 @!p0 $0x1;
	_ =	shalt  }
.Lfunc_end2:
_tile_overlayer_lowered:
.L_overlay_start_2:
0xf0: {  	(tag) =	ssettag $0x2  }
0xf1: {  	s0 =	rddreg [dreg:$0x0];
	s2 =	stileid.u32  }
0xf2: {  	s1 =	rddreg [dreg:$0x1];
	p0 =	sne.s32 s2, $0x0  }
0xf3: {  	s3 =	rddreg [dreg:$0x2];
	[bflag:$0x3] =	sbarrier.arrive $0xFFFF;
	s2 =	simm.s32 @!p0 $0x1C05  }
0xf4: {  	[timem:s3], [sflag:s2] =	dma.local @!p0 [hbm:s0], s1  }
0xf5: {  	s0 =	simm.s32 @!p0 $0x5  }
0xf6: {  	_ =	swait.ge @!p0 [sflag:s0], s1  }
0xf7: {  	s1 =	ssub.s32 @!p0 $0x0, s1;
	[sflag:s0] =	ssyncset.done @!p0 $0x0  }
0xf8: {  	[sflag:s0] =	ssyncadd.s32 @!p0 s1  }
0xf9: {  	[bflag:$0x3] =	sbarrier.arrive $0xFFFF  }
0xfa: {  	_ =	shalt  }

// kernel: kernel.8.cloned.1.call-start
scs
__scs_entry_jumppad:
0x0: {  	(pc) =	sbr.rel $0x88, $3  }
0x1: {  	(tag) =	ssettag $0x0;
	lr =	simm.s32 $0x1  }
0x2: {  	[smem:$0x3F98] =	sst lr;
	_ =	strace $0xD0000000  }
0x3: {  	_ = 	snop  }
0x4: {  	_ = 	snop  }
0x5: {  	_ = 	snop  }
0x6: {  	_ = 	snop  }
0x7: {  	_ = 	snop  }
__scs_overlays_trampoline_lowered:
0x8: {  	[smem:$0x3FA7] =	sst s0  }
0x9: {  	[smem:$0x3FA8] =	sst s1  }
0xa: {  	[smem:$0x3FA9] =	sst s2  }
0xb: {  	[smem:$0x3FAA] =	sst s3  }
0xc: {  	[smem:$0x3FAB] =	sst s4  }
0xd: {  	[smem:$0x3FAC] =	sst s5  }
0xe: {  	[smem:$0x3FAD] =	sst s6  }
0xf: {  	[smem:$0x3FAE] =	sst s7  }
0x10: {  	[smem:$0x3FAF] =	sst s8  }
0x11: {  	[smem:$0x3FB0] =	sst s9;
	s0 =	simm.s32 @!p0 $0x0  }
0x12: {  	s1 =	sld [smem:$0x3F96];
	s0 =	simm.s32 @p0 $0x1  }
0x13: {  	[smem:$0x3FB1] =	sst s0;
	s0 =	simm.s32 @!p1 $0x0  }
0x14: {  	s2 =	sld [smem:$0x3F95];
	s0 =	simm.s32 @p1 $0x1  }
0x15: {  	[smem:$0x3FB2] =	sst s0;
	s0 =	simm.s32 @!p2 $0x0  }
0x16: {  	s3 =	sld [smem:$0x3FDB];
	s0 =	simm.s32 @p2 $0x1  }
0x17: {  	s4 =	simm.s32 $0x1BF5;
	[smem:$0x3FB4] =	sst s0  }
0x18: {  	s0 =	sld [smem:$0x3F97];
	_ =	swait.ge [sflag:s4], $0x0  }
0x19: {  	s7 =	sld [smem:$0x3F98]  }
0x1a: {  	s8 =	sadd.s32 $0xFFFFE003, lr  }
0x1b: {  	s9 =	sadd.s32 $0xFFFFFEF7, lr;
	s5 =	simm.s32 $0xFFFFFFFF;
	p2 =	slt.u32 s8, $0xFFFFF086  }
0x1c: {  	p1 =	slt.u32 s9, $0xF7A;
	s5 =	simm.s32 @!p2 $0x0  }
0x1d: {  	s5 =	simm.s32 @p1 $0x1;
	p0 =	seq.s32 s7, s2  }
0x1e: {  	s7 =	smul.u32 @!p0 $0xF7A, s2;
	p2 =	seq.s32 @!p0 s5, $0x0  }
0x1f: {  	s9 =	smul.u32 $0xF7A, s1;
	s8 =	simm.s32 @!p0 $0x1BF5;
	p2 =	por !p2, p0  }
0x20: {  	[sflag:s8] =	ssyncset.s32 @!p0 $0xFFFFF086;
	s6 =	sadd.s32 @!p0 s3, s7;
	s7 =	simm.s32 @!p0 $0x108  }
0x21: {  	s3 =	sadd.s32 s3, s9;
	s6 =	sadd.s32 @!p0 $0x88, s6;
	s7 =	simm.s32 @p2 $0x1082  }
0x22: {  	[simem:s7], [sflag:s8] =	dma.local @!p0 [hbm:s6], $0xF7A  }
0x23: {  	s9 =	sor.u32 $0xD0000000, s2;
	s6 =	simm.s32 $0x108;
	_ =	swait.ge @!p0 [sflag:s8], $0x0  }
0x24: {  	s3 =	sadd.s32 $0x88, s3;
	s6 =	simm.s32 @!p1 $0x1082;
	[sflag:s4] =	ssyncset.s32 $0xFFFFF086  }
0x25: {  	[simem:s6], [sflag:s4] =	dma.local [hbm:s3], $0xF7A  }
0x26: {  	[smem:$0x3F98] =	sst s1;
	(tag) =	ssettag s2;
	_ =	strace s9  }
0x27: {  	s1 =	sld [smem:$0x3FA8]  }
0x28: {  	s2 =	sld [smem:$0x3FA9]  }
0x29: {  	s4 =	sld [smem:$0x3FAB]  }
0x2a: {  	p0 =	seq.s32 s5, $0x0;
	s5 =	sld [smem:$0x3FAC]  }
0x2b: {  	s6 =	sld [smem:$0x3FAD]  }
0x2c: {  	s7 =	sld [smem:$0x3FAE]  }
0x2d: {  	s3 =	simm.s32 $0x108;
	s8 =	sld [smem:$0x3FAF]  }
0x2e: {  	s3 =	simm.s32 @!p0 $0x1082;
	s9 =	sld [smem:$0x3FB0]  }
0x2f: {  	lr =	sadd.s32 s0, s3;
	s0 =	sld [smem:$0x3FA7]  }
0x30: {  	s3 =	sld [smem:$0x3FAA]  }
0x31: {  	[smem:$0x3FB3] =	sst s10  }
0x32: {  	s10 =	sld [smem:$0x3FB1];
	_ =	sdelay $0x3  }
0x33: {  	p0 =	seq.s32 s10, $0x1;
	s10 =	sld [smem:$0x3FB3];
	_ =	sdelay $0x3  }
0x34: {  	[smem:$0x3FB3] =	sst s10  }
0x35: {  	s10 =	sld [smem:$0x3FB2];
	_ =	sdelay $0x3  }
0x36: {  	p1 =	seq.s32 s10, $0x1;
	s10 =	sld [smem:$0x3FB3];
	_ =	sdelay $0x3  }
0x37: {  	[smem:$0x3FB3] =	sst s10  }
0x38: {  	s10 =	sld [smem:$0x3FB4]  }
0x39: {  	_ = 	snop;
	(pc) =	sbr.ind lr, $3  }
0x3a: {  	_ = 	snop  }
0x3b: {  	_ = 	snop  }
0x3c: {  	p2 =	seq.s32 s10, $0x1;
	s10 =	sld [smem:$0x3FB3]  }
0x3d: {  	_ =	shalt  }
0x3e: {  	_ =	shalt  }
0x3f: {  	_ =	shalt  }
0x40: {  	_ =	shalt  }
0x41: {  	_ =	shalt  }
0x42: {  	_ =	shalt  }
0x43: {  	_ =	shalt  }
0x44: {  	_ =	shalt  }
0x45: {  	_ =	shalt  }
0x46: {  	_ =	shalt  }
0x47: {  	_ =	shalt  }
0x48: {  	_ =	shalt  }
0x49: {  	_ =	shalt  }
0x4a: {  	_ =	shalt  }
0x4b: {  	_ =	shalt  }
0x4c: {  	_ =	shalt  }
0x4d: {  	_ =	shalt  }
0x4e: {  	_ =	shalt  }
0x4f: {  	_ =	shalt  }
0x50: {  	_ =	shalt  }
0x51: {  	_ =	shalt  }
0x52: {  	_ =	shalt  }
0x53: {  	_ =	shalt  }
0x54: {  	_ =	shalt  }
0x55: {  	_ =	shalt  }
0x56: {  	_ =	shalt  }
0x57: {  	_ =	shalt  }
0x58: {  	_ =	shalt  }
0x59: {  	_ =	shalt  }
0x5a: {  	_ =	shalt  }
0x5b: {  	_ =	shalt  }
0x5c: {  	_ =	shalt  }
0x5d: {  	_ =	shalt  }
0x5e: {  	_ =	shalt  }
0x5f: {  	_ =	shalt  }
0x60: {  	_ =	shalt  }
0x61: {  	_ =	shalt  }
0x62: {  	_ =	shalt  }
0x63: {  	_ =	shalt  }
0x64: {  	_ =	shalt  }
0x65: {  	_ =	shalt  }
0x66: {  	_ =	shalt  }
0x67: {  	_ =	shalt  }
0x68: {  	_ =	shalt  }
0x69: {  	_ =	shalt  }
0x6a: {  	_ =	shalt  }
0x6b: {  	_ =	shalt  }
0x6c: {  	_ =	shalt  }
0x6d: {  	_ =	shalt  }
0x6e: {  	_ =	shalt  }
0x6f: {  	_ =	shalt  }
0x70: {  	_ =	shalt  }
0x71: {  	_ =	shalt  }
0x72: {  	_ =	shalt  }
0x73: {  	_ =	shalt  }
0x74: {  	_ =	shalt  }
0x75: {  	_ =	shalt  }
0x76: {  	_ =	shalt  }
0x77: {  	_ =	shalt  }
0x78: {  	_ =	shalt  }
0x79: {  	_ =	shalt  }
0x7a: {  	_ =	shalt  }
0x7b: {  	_ =	shalt  }
0x7c: {  	_ =	shalt  }
0x7d: {  	_ =	shalt  }
0x7e: {  	_ =	shalt  }
0x7f: {  	_ =	shalt  }
0x80: {  	_ =	shalt  }
0x81: {  	_ =	shalt  }
0x82: {  	_ =	shalt  }
0x83: {  	_ =	shalt  }
0x84: {  	_ =	shalt  }
0x85: {  	_ =	shalt  }
0x86: {  	_ =	shalt  }
0x87: {  	_ =	shalt  }
.Lfunc_end0:
.L_simem_size_0:
called_computation_lowered:
.L_overlay_start_0:
0x88: {  	s2 =	sld [smem:$0x3FD9]  }
0x89: {  	s3 =	sld [smem:$0x3FFE];
	_ =	sdelay $0x1  }
0x8a: {  	s1 =	srdreg.scid  }
0x8b: {  	s0 =	sand.u32 $0x1, s1  }
0x8c: {  	s17 =	sshll.u32 s0, $0xA;
	s2 =	sadd.s32 s3, s2  }
0x8d: {  	s2 =	sadd.s32 s2, s17  }
0x8e: {  	[smem:$0x3FBF] =	sst s2  }
0x8f: {  	_ = 	snop  }
0x90: {  	s2 =	sld [smem:$0x3FC9];
	(tm) =	ssettm $0x1  }
0x91: {  	s18 =	sld [smem:$0x3FFB];
	_ =	sdelay $0x3  }
0x92: {  	_ =	strace s18  }
0x93: {  	s3 =	sld [smem:$0x3FFC];
	_ =	sdelay $0x3  }
0x94: {  	_ =	strace s3  }
0x95: {  	s3 =	sld [smem:$0x3FFD];
	_ =	sdelay $0x3  }
0x96: {  	_ =	strace s3  }
0x97: {  	_ =	strace $0x8FFFFFFF  }
0x98: {  	s19 =	sld [smem:$0x3FDB];
	_ =	sdelay $0x1  }
0x99: {  	s4 =	simm.s32 $_scs_section_size  }
0x9a: {  	s5 =	simm.s32 $_size__tile_overlayer_lowered;
	s6 =	simm.s32 $_tile_overlayer_lowered  }
0x9b: {  	s22 =	simm.s32 $0x1BFF;
	s21 =	sshll.u32 s6, $0x1;
	s3 =	sadd.s32 s4, s19  }
0x9c: {  	s7 =	simm.s32 $0x0;
	s20 =	sshll.u32 s5, $0x1;
	s5 =	sadd.s32 s21, s3  }
0x9d: {  	[timem:s7], [sflag:s22] =	dma.local [hbm:s5], s20  }
0x9e: {  	_ =	swait.ge [sflag:s22], s20  }
0x9f: {  	s4 =	ssub.s32 $0x0, s20;
	[sflag:s22] =	ssyncset.done $0x0  }
0xa0: {  	[sflag:s22] =	ssyncadd.s32 s4;
	_ =	sdelay $0x1  }
0xa1: {  	s23 =	simm.s32 $0x1B8B  }
0xa2: {  	_ =	swait.ge [sflag:s23], $0x1  }
0xa3: {  	[sflag:s23] =	ssyncset.done $0x0  }
0xa4: {  	s25 =	simm.s32 $0x1B8E;
	s24 =	sld [smem:$0x3FFE];
	[sflag:s23] =	ssyncadd.s32 $0xFFFFFFFF  }
0xa5: {  	s26 =	simm.s32 $execute0_lowered;
	[smem:$0x3FD2] =	sst s25  }
0xa6: {  	s5 =	sshll.u32 s26, $0x1;
	_ =	strace $0x80000046;
	[dreg:$0x1] =	wrdreg $0xFFFFFFFF  }
0xa7: {  	s28 =	simm.s32 $_size_execute0_lowered;
	s3 =	sadd.s32 s3, s5;
	[dreg:$0x0] =	wrdreg $0x0  }
0xa8: {  	s5 =	sshll.u32 s28, $0x1;
	[dreg:$0x2] =	wrdreg s3  }
0xa9: {  	[dreg:$0x3] =	wrdreg s5  }
0xaa: {  	[dreg:$0x4] =	wrdreg $0xC0  }
0xab: {  	_ =	task [dreg:s7], $0x5FFFF  }
0xac: {  	[dreg:$0x1] =	wrdreg $0xFFFFFFFF  }
0xad: {  	[dreg:$0x0] =	wrdreg $0x60  }
0xae: {  	[dreg:$0x2] =	wrdreg s2  }
0xaf: {  	[dreg:$0x3] =	wrdreg s24  }
0xb0: {  	[dreg:$0x4] =	wrdreg $0x9  }
0xb1: {  	_ =	task.clear_ibuf [dreg:s7], $0x5FFFF;
	_ =	strace $0x90000046  }
0xb2: {  	s29 =	simm.s32 $0x9;
	_ =	strace $0x80000048  }
0xb3: {  	_ =	swait.ge [sflag:s29], $0x1  }
0xb4: {  	[sflag:s29] =	ssyncadd.s32 $0xFFFFFFFF  }
0xb5: {  	_ =	strace $0x90000048  }
0xb6: {  	_ =	sfence  }
0xb7: {  	s30 =	sld [smem:$0x0];
	_ =	sdelay $0x2  }
0xb8: {  	s31 =	sshll.u32 s1, $0xD;
	s1 =	sshrl.u32 s1, $0x2  }
0xb9: {  	s3 =	sand.u32 $0x4000, s31;
	s1 =	sadd.s32 s1, s30  }
0xba: {  	s0 =	sor.u32 s3, s0;
	s1 =	sshll.u32 s1, $0x11  }
0xbb: {  	s0 =	sor.u32 s1, s0  }
0xbc: {  	s0 =	sadd.s32 $0x8F2B, s0  }
0xbd: {  	[sflag:s0] =	ssyncadd.remote.s32 $0x1  }
0xbe: {  	_ =	sfence.sel $0xFFFF  }
0xbf: {  	[dreg:$0x0] =	wrdreg $0xFFFFFFFF;
	(pc) =	sbr.abs _section_cstart, $3  }
0xc0: {  	[dreg:$0x1] =	wrdreg $0xFFFFFFFF  }
0xc1: {  	_ =	task.clear_ibuf [dreg:s7], $0x2FFFF;
	_ =	strace $0x9FFFFFFF  }
0xc2: {  	(tm) =	ssettm $0x7FFFFFFF  }
0xc3: {  	_ =	shalt  }
tec
execute0_lowered:
.L_overlay_start_1:
0x0: {  	(tag) =	ssettag $0x1  }
0x1: {  	s0 =	srdreg.scid  }
0x2: {  	s1 =	rddreg [dreg:$0x0];
	s2 =	stileid.u32  }
0x3: {  	s6 =	rddreg [dreg:$0x1];
	s25 =	simm.s32 $0x10000;
	s26 =	simm.s32 $0x10080  }
0x4: {  	s8 =	simm.s32 $0x3;
	s20 =	simm.s32 $0x1800;
	s21 =	simm.s32 $0x2000  }
0x5: {  	s22 =	simm.s32 $0x2800;
	s28 =	simm.s32 $0x5000;
	s29 =	simm.s32 $0x5800  }
0x6: {  	s30 =	simm.s32 $0x6000;
	s31 =	simm.s32 $0x6800;
	s9 =	simm.s32 $0x8000  }
0x7: {  	s10 =	simm.s32 $0x8800;
	s11 =	simm.s32 $0x9000;
	s12 =	simm.s32 $0x9800  }
0x8: {  	s13 =	simm.s32 $0xA000;
	s14 =	simm.s32 $0xA800;
	s15 =	simm.s32 $0xB000  }
0x9: {  	s16 =	simm.s32 $0xB800;
	s17 =	simm.s32 $0xC000;
	s0 =	sand.u32 $0x1, s0  }
0xa: {  	s3 =	sshll.u32 s2, $0x7;
	s2 =	simm.s32 $0x0;
	s4 =	sshll.u32 s0, $0x6  }
0xb: {  	[smem:$0x7FF] =	sst s2;
	s0 =	ssub.s32 $0x2, s0;
	s3 =	sor.u32 s4, s3  }
0xc: {  	_ =	strace $0x80000047;
	s5 =	sshrl.u32 s0, $0x1;
	[dreg:$0x6] =	wrdreg s25  }
0xd: {  	[dreg:$0x7] =	wrdreg s26;
	s25 =	simm.s32 $0x4000;
	s26 =	simm.s32 $0x4800  }
0xe: {  	s4 =	sshrl.u32 s3, $0x3;
	s3 =	sshll.u32 s3, $0x7;
	s0 =	ssub.s32 s0, s5  }
0xf: {  	s5 =	sadd.s32 $0x2C00, s6;
	s4 =	sadd.s32 s4, s6;
	s1 =	sadd.s32 s1, s3  }
0x10: {  	s3 =	sadd.s32 $0x2A00, s6;
	s7 =	smax.u32 s0, $0x1;
	[dreg:$0x3] =	wrdreg s1  }
0x11: {  	v2 =	vlaneseq.u32;
	s23 =	sadd.s32 $0x2600, s4;
	s24 =	sadd.s32 $0x2800, s4;
	s4 =	sadd.s32 $0x2B00, s6  }
0x12: {  	vm0 =	vmmov $0xffff;
	v1 =	vshrl.u32 v2, $0x3;
	s6 =	sadd.s32 $0x2D00, s6;
	s1 =	simm.s32 $0x7000;
	[dreg:$0x4] =	wrdreg s23  }
0x13: {  	v0 =	vand.u32 $0x7, v2;
	v2 =	vor.u32 $0x8, v2;
	v1 =	vmul.u32 $0x8, v1;
	[dreg:$0x5] =	wrdreg s24;
	s23 =	simm.s32 $0x3000;
	s24 =	simm.s32 $0x3800  }
.LBB2_1:
0x14: {  	s18 =	rddreg [dreg:$0x3]  }
0x15: {  	[tilespmem:s2], [sflag:$0x3] =	stream.linear.gather [hbm4b:s18+s2], $0x10000, $0x38;
	[tilespmem:$0x10100] =	vst v63  }
0x16: {  	_ =	swait.ge [sflag:s8], $0x10000  }
0x17: {  	s0 =	rddreg [dreg:$0x4];
	[sflag:s8] =	ssyncset.done $0x0  }
0x18: {  	s19 =	rddreg [dreg:$0x6];
	[sflag:s8] =	ssyncadd.s32 $0xFFFF0000  }
0x19: {  	[tilespmem:s19], [sflag:$0x3] =	stream.linear.gather [hbm4b:s0+s2], $0x40, $0x38;
	[tilespmem:$0x10100] =	vst v63  }
0x1a: {  	_ =	swait.ge [sflag:s8], $0x40  }
0x1b: {  	s19 =	rddreg [dreg:$0x5];
	[sflag:s8] =	ssyncset.done $0x0  }
0x1c: {  	s0 =	rddreg [dreg:$0x7];
	[sflag:s8] =	ssyncadd.s32 $0xFFFFFFC0  }
0x1d: {  	[tilespmem:s0], [sflag:$0x3] =	stream.linear.gather [hbm4b:s19+s2], $0x40, $0x38;
	[tilespmem:$0x10100] =	vst v63  }
0x1e: {  	_ =	swait.ge [sflag:s8], $0x40  }
0x1f: {  	[sflag:s8] =	ssyncset.done $0x0  }
0x20: {  	[sflag:s8] =	ssyncadd.s32 $0xFFFFFFC0  }
0x21: {  	v3 =	vld [tilespmem:$0x10000];
	_ =	sdelay $0x4  }
0x22: {  	v4 =	vshll.u32 v3, $0x3  }
0x23: {  	v3 =	vand.u32 $0x7, v3;
	v4 =	vand.u32 $0xFFFFFFC0, v4  }
0x24: {  	v3 =	vor.u32 v3, v4  }
0x25: {  	v4 =	vperm.xlane v3, v0;
	_ =	sdelay $0x1  }
0x26: {  	v4 =	vadd.s32 v1, v4;
	_ =	sdelay $0x4  }
0x27: {  	[hbm4b:s3+s2] =	stream.indirect_vreg.scatter [tilespmem:s2], [sflag:$0x1], $0x80, v4, vm0, $0xb8;
	[tilespmem:$0x10100] =	vst v63  }
0x28: {  	s18 =	simm.s32 $0x800;
	v3 =	vperm.xlane v3, v2  }
0x29: {  	[hbm4b:s4+s2] =	stream.indirect_vreg.scatter [tilespmem:s18], [sflag:$0x1], $0x80, v4, vm0, $0xb8;
	[tilespmem:$0x10100] =	vst v63  }
0x2a: {  	s19 =	simm.s32 $0x1000;
	v3 =	vadd.s32 v1, v3  }
0x2b: {  	[hbm4b:s5+s2] =	stream.indirect_vreg.scatter [tilespmem:s19], [sflag:$0x1], $0x80, v4, vm0, $0xb8;
	[tilespmem:$0x10100] =	vst v63  }
0x2c: {  	_ = 	snop  }
0x2d: {  	[hbm4b:s6+s2] =	stream.indirect_vreg.scatter [tilespmem:s20], [sflag:$0x1], $0x80, v4, vm0, $0xb8;
	[tilespmem:$0x10100] =	vst v63  }
0x2e: {  	_ = 	snop  }
0x2f: {  	[hbm4b:s3+s2] =	stream.indirect_vreg.scatter [tilespmem:s21], [sflag:$0x1], $0x80, v3, vm0, $0xb8;
	[tilespmem:$0x10100] =	vst v63  }
0x30: {  	_ = 	snop  }
0x31: {  	[hbm4b:s4+s2] =	stream.indirect_vreg.scatter [tilespmem:s22], [sflag:$0x1], $0x80, v3, vm0, $0xb8;
	[tilespmem:$0x10100] =	vst v63  }
0x32: {  	_ = 	snop  }
0x33: {  	[hbm4b:s5+s2] =	stream.indirect_vreg.scatter [tilespmem:s23], [sflag:$0x1], $0x80, v3, vm0, $0xb8;
	[tilespmem:$0x10100] =	vst v63  }
0x34: {  	_ = 	snop  }
0x35: {  	[hbm4b:s6+s2] =	stream.indirect_vreg.scatter [tilespmem:s24], [sflag:$0x1], $0x80, v3, vm0, $0xb8;
	[tilespmem:$0x10100] =	vst v63  }
0x36: {  	v3 =	vld [tilespmem:$0x10010];
	_ =	sdelay $0x4  }
0x37: {  	v57 =	vshll.u32 v3, $0x3  }
0x38: {  	v3 =	vand.u32 $0x7, v3;
	v4 =	vand.u32 $0xFFFFFFC0, v57  }
0x39: {  	v3 =	vor.u32 v3, v4  }
0x3a: {  	v4 =	vperm.xlane v3, v0;
	_ =	sdelay $0x1  }
0x3b: {  	v4 =	vadd.s32 v1, v4;
	_ =	sdelay $0x4  }
0x3c: {  	[hbm4b:s3+s2] =	stream.indirect_vreg.scatter [tilespmem:s25], [sflag:$0x1], $0x80, v4, vm0, $0xb8;
	[tilespmem:$0x10100] =	vst v63  }
0x3d: {  	v3 =	vperm.xlane v3, v2  }
0x3e: {  	[hbm4b:s4+s2] =	stream.indirect_vreg.scatter [tilespmem:s26], [sflag:$0x1], $0x80, v4, vm0, $0xb8;
	[tilespmem:$0x10100] =	vst v63  }
0x3f: {  	v3 =	vadd.s32 v1, v3  }
0x40: {  	[hbm4b:s5+s2] =	stream.indirect_vreg.scatter [tilespmem:s28], [sflag:$0x1], $0x80, v4, vm0, $0xb8;
	[tilespmem:$0x10100] =	vst v63  }
0x41: {  	_ = 	snop  }
0x42: {  	[hbm4b:s6+s2] =	stream.indirect_vreg.scatter [tilespmem:s29], [sflag:$0x1], $0x80, v4, vm0, $0xb8;
	[tilespmem:$0x10100] =	vst v63  }
0x43: {  	_ = 	snop  }
0x44: {  	[hbm4b:s3+s2] =	stream.indirect_vreg.scatter [tilespmem:s30], [sflag:$0x1], $0x80, v3, vm0, $0xb8;
	[tilespmem:$0x10100] =	vst v63  }
0x45: {  	_ = 	snop  }
0x46: {  	[hbm4b:s4+s2] =	stream.indirect_vreg.scatter [tilespmem:s31], [sflag:$0x1], $0x80, v3, vm0, $0xb8;
	[tilespmem:$0x10100] =	vst v63  }
0x47: {  	_ = 	snop  }
0x48: {  	[hbm4b:s5+s2] =	stream.indirect_vreg.scatter [tilespmem:s1], [sflag:$0x1], $0x80, v3, vm0, $0xb8;
	[tilespmem:$0x10100] =	vst v63  }
0x49: {  	s0 =	simm.s32 $0x7800  }
0x4a: {  	[hbm4b:s6+s2] =	stream.indirect_vreg.scatter [tilespmem:s0], [sflag:$0x1], $0x80, v3, vm0, $0xb8;
	[tilespmem:$0x10100] =	vst v63  }
0x4b: {  	v3 =	vld [tilespmem:$0x10020];
	_ =	sdelay $0x4  }
0x4c: {  	v58 =	vshll.u32 v3, $0x3  }
0x4d: {  	v3 =	vand.u32 $0x7, v3;
	v4 =	vand.u32 $0xFFFFFFC0, v58  }
0x4e: {  	v3 =	vor.u32 v3, v4  }
0x4f: {  	v4 =	vperm.xlane v3, v0;
	_ =	sdelay $0x1  }
0x50: {  	v4 =	vadd.s32 v1, v4;
	_ =	sdelay $0x4  }
0x51: {  	[hbm4b:s3+s2] =	stream.indirect_vreg.scatter [tilespmem:s9], [sflag:$0x1], $0x80, v4, vm0, $0xb8;
	[tilespmem:$0x10100] =	vst v63  }
0x52: {  	v3 =	vperm.xlane v3, v2  }
0x53: {  	[hbm4b:s4+s2] =	stream.indirect_vreg.scatter [tilespmem:s10], [sflag:$0x1], $0x80, v4, vm0, $0xb8;
	[tilespmem:$0x10100] =	vst v63  }
0x54: {  	v3 =	vadd.s32 v1, v3  }
0x55: {  	[hbm4b:s5+s2] =	stream.indirect_vreg.scatter [tilespmem:s11], [sflag:$0x1], $0x80, v4, vm0, $0xb8;
	[tilespmem:$0x10100] =	vst v63  }
0x56: {  	_ = 	snop  }
0x57: {  	[hbm4b:s6+s2] =	stream.indirect_vreg.scatter [tilespmem:s12], [sflag:$0x1], $0x80, v4, vm0, $0xb8;
	[tilespmem:$0x10100] =	vst v63  }
0x58: {  	_ = 	snop  }
0x59: {  	[hbm4b:s3+s2] =	stream.indirect_vreg.scatter [tilespmem:s13], [sflag:$0x1], $0x80, v3, vm0, $0xb8;
	[tilespmem:$0x10100] =	vst v63  }
0x5a: {  	_ = 	snop  }
0x5b: {  	[hbm4b:s4+s2] =	stream.indirect_vreg.scatter [tilespmem:s14], [sflag:$0x1], $0x80, v3, vm0, $0xb8;
	[tilespmem:$0x10100] =	vst v63  }
0x5c: {  	_ = 	snop  }
0x5d: {  	[hbm4b:s5+s2] =	stream.indirect_vreg.scatter [tilespmem:s15], [sflag:$0x1], $0x80, v3, vm0, $0xb8;
	[tilespmem:$0x10100] =	vst v63  }
0x5e: {  	_ = 	snop  }
0x5f: {  	[hbm4b:s6+s2] =	stream.indirect_vreg.scatter [tilespmem:s16], [sflag:$0x1], $0x80, v3, vm0, $0xb8;
	[tilespmem:$0x10100] =	vst v63  }
0x60: {  	v3 =	vld [tilespmem:$0x10030];
	_ =	sdelay $0x4  }
0x61: {  	v59 =	vshll.u32 v3, $0x3  }
0x62: {  	v3 =	vand.u32 $0x7, v3;
	v4 =	vand.u32 $0xFFFFFFC0, v59  }
0x63: {  	v3 =	vor.u32 v3, v4  }
0x64: {  	v4 =	vperm.xlane v3, v0;
	_ =	sdelay $0x1  }
0x65: {  	v4 =	vadd.s32 v1, v4;
	_ =	sdelay $0x4  }
0x66: {  	[hbm4b:s3+s2] =	stream.indirect_vreg.scatter [tilespmem:s17], [sflag:$0x1], $0x80, v4, vm0, $0xb8;
	[tilespmem:$0x10100] =	vst v63  }
0x67: {  	s0 =	simm.s32 $0xC800;
	v3 =	vperm.xlane v3, v2  }
0x68: {  	[hbm4b:s4+s2] =	stream.indirect_vreg.scatter [tilespmem:s0], [sflag:$0x1], $0x80, v4, vm0, $0xb8;
	[tilespmem:$0x10100] =	vst v63  }
0x69: {  	v3 =	vadd.s32 v1, v3;
	s0 =	simm.s32 $0xD000  }
0x6a: {  	[hbm4b:s5+s2] =	stream.indirect_vreg.scatter [tilespmem:s0], [sflag:$0x1], $0x80, v4, vm0, $0xb8;
	[tilespmem:$0x10100] =	vst v63  }
0x6b: {  	s0 =	simm.s32 $0xD800  }
0x6c: {  	[hbm4b:s6+s2] =	stream.indirect_vreg.scatter [tilespmem:s0], [sflag:$0x1], $0x80, v4, vm0, $0xb8;
	[tilespmem:$0x10100] =	vst v63  }
0x6d: {  	s0 =	simm.s32 $0xE000  }
0x6e: {  	[hbm4b:s3+s2] =	stream.indirect_vreg.scatter [tilespmem:s0], [sflag:$0x1], $0x80, v3, vm0, $0xb8;
	[tilespmem:$0x10100] =	vst v63  }
0x6f: {  	s0 =	simm.s32 $0xE800  }
0x70: {  	[hbm4b:s4+s2] =	stream.indirect_vreg.scatter [tilespmem:s0], [sflag:$0x1], $0x80, v3, vm0, $0xb8;
	[tilespmem:$0x10100] =	vst v63  }
0x71: {  	s0 =	simm.s32 $0xF000  }
0x72: {  	[hbm4b:s5+s2] =	stream.indirect_vreg.scatter [tilespmem:s0], [sflag:$0x1], $0x80, v3, vm0, $0xb8;
	[tilespmem:$0x10100] =	vst v63  }
0x73: {  	s0 =	simm.s32 $0xF800  }
0x74: {  	[hbm4b:s6+s2] =	stream.indirect_vreg.scatter [tilespmem:s0], [sflag:$0x1], $0x80, v3, vm0, $0xb8;
	[tilespmem:$0x10100] =	vst v63  }
0x75: {  	v3 =	vld [tilespmem:$0x10080];
	_ =	sdelay $0x4  }
0x76: {  	v60 =	vshll.u32 v3, $0x3  }
0x77: {  	v3 =	vand.u32 $0x7, v3;
	v4 =	vand.u32 $0xFFFFFFC0, v60  }
0x78: {  	v3 =	vor.u32 v3, v4  }
0x79: {  	v4 =	vperm.xlane v3, v0;
	_ =	sdelay $0x1  }
0x7a: {  	v4 =	vadd.s32 v1, v4;
	_ =	sdelay $0x4  }
0x7b: {  	[hbm4b:s3+s2] =	stream.indirect_vreg.scatter [tilespmem:s2], [sflag:$0x2], $0x80, v4, vm0, $0xb8;
	[tilespmem:$0x10100] =	vst v63  }
0x7c: {  	v3 =	vperm.xlane v3, v2  }
0x7d: {  	[hbm4b:s4+s2] =	stream.indirect_vreg.scatter [tilespmem:s18], [sflag:$0x2], $0x80, v4, vm0, $0xb8;
	[tilespmem:$0x10100] =	vst v63  }
0x7e: {  	v3 =	vadd.s32 v1, v3  }
0x7f: {  	[hbm4b:s5+s2] =	stream.indirect_vreg.scatter [tilespmem:s19], [sflag:$0x2], $0x80, v4, vm0, $0xb8;
	[tilespmem:$0x10100] =	vst v63  }
0x80: {  	_ = 	snop  }
0x81: {  	[hbm4b:s6+s2] =	stream.indirect_vreg.scatter [tilespmem:s20], [sflag:$0x2], $0x80, v4, vm0, $0xb8;
	[tilespmem:$0x10100] =	vst v63  }
0x82: {  	_ = 	snop  }
0x83: {  	[hbm4b:s3+s2] =	stream.indirect_vreg.scatter [tilespmem:s21], [sflag:$0x2], $0x80, v3, vm0, $0xb8;
	[tilespmem:$0x10100] =	vst v63  }
0x84: {  	_ = 	snop  }
0x85: {  	[hbm4b:s4+s2] =	stream.indirect_vreg.scatter [tilespmem:s22], [sflag:$0x2], $0x80, v3, vm0, $0xb8;
	[tilespmem:$0x10100] =	vst v63  }
0x86: {  	_ = 	snop  }
0x87: {  	[hbm4b:s5+s2] =	stream.indirect_vreg.scatter [tilespmem:s23], [sflag:$0x2], $0x80, v3, vm0, $0xb8;
	[tilespmem:$0x10100] =	vst v63  }
0x88: {  	_ = 	snop  }
0x89: {  	[hbm4b:s6+s2] =	stream.indirect_vreg.scatter [tilespmem:s24], [sflag:$0x2], $0x80, v3, vm0, $0xb8;
	[tilespmem:$0x10100] =	vst v63  }
0x8a: {  	v3 =	vld [tilespmem:$0x10090];
	_ =	sdelay $0x4  }
0x8b: {  	v61 =	vshll.u32 v3, $0x3  }
0x8c: {  	v3 =	vand.u32 $0x7, v3;
	v4 =	vand.u32 $0xFFFFFFC0, v61  }
0x8d: {  	v3 =	vor.u32 v3, v4  }
0x8e: {  	v4 =	vperm.xlane v3, v0;
	_ =	sdelay $0x1  }
0x8f: {  	v4 =	vadd.s32 v1, v4;
	_ =	sdelay $0x4  }
0x90: {  	[hbm4b:s3+s2] =	stream.indirect_vreg.scatter [tilespmem:s25], [sflag:$0x2], $0x80, v4, vm0, $0xb8;
	[tilespmem:$0x10100] =	vst v63  }
0x91: {  	v3 =	vperm.xlane v3, v2  }
0x92: {  	[hbm4b:s4+s2] =	stream.indirect_vreg.scatter [tilespmem:s26], [sflag:$0x2], $0x80, v4, vm0, $0xb8;
	[tilespmem:$0x10100] =	vst v63  }
0x93: {  	v3 =	vadd.s32 v1, v3  }
0x94: {  	[hbm4b:s5+s2] =	stream.indirect_vreg.scatter [tilespmem:s28], [sflag:$0x2], $0x80, v4, vm0, $0xb8;
	[tilespmem:$0x10100] =	vst v63  }
0x95: {  	_ = 	snop  }
0x96: {  	[hbm4b:s6+s2] =	stream.indirect_vreg.scatter [tilespmem:s29], [sflag:$0x2], $0x80, v4, vm0, $0xb8;
	[tilespmem:$0x10100] =	vst v63  }
0x97: {  	_ = 	snop  }
0x98: {  	[hbm4b:s3+s2] =	stream.indirect_vreg.scatter [tilespmem:s30], [sflag:$0x2], $0x80, v3, vm0, $0xb8;
	[tilespmem:$0x10100] =	vst v63  }
0x99: {  	_ = 	snop  }
0x9a: {  	[hbm4b:s4+s2] =	stream.indirect_vreg.scatter [tilespmem:s31], [sflag:$0x2], $0x80, v3, vm0, $0xb8;
	[tilespmem:$0x10100] =	vst v63  }
0x9b: {  	_ = 	snop  }
0x9c: {  	[hbm4b:s5+s2] =	stream.indirect_vreg.scatter [tilespmem:s1], [sflag:$0x2], $0x80, v3, vm0, $0xb8;
	[tilespmem:$0x10100] =	vst v63  }
0x9d: {  	s18 =	simm.s32 $0x7800  }
0x9e: {  	[hbm4b:s6+s2] =	stream.indirect_vreg.scatter [tilespmem:s18], [sflag:$0x2], $0x80, v3, vm0, $0xb8;
	[tilespmem:$0x10100] =	vst v63  }
0x9f: {  	v3 =	vld [tilespmem:$0x100A0];
	_ =	sdelay $0x4  }
0xa0: {  	v62 =	vshll.u32 v3, $0x3  }
0xa1: {  	v3 =	vand.u32 $0x7, v3;
	v4 =	vand.u32 $0xFFFFFFC0, v62  }
0xa2: {  	v3 =	vor.u32 v3, v4  }
0xa3: {  	v4 =	vperm.xlane v3, v0;
	_ =	sdelay $0x1  }
0xa4: {  	v4 =	vadd.s32 v1, v4;
	_ =	sdelay $0x4  }
0xa5: {  	[hbm4b:s3+s2] =	stream.indirect_vreg.scatter [tilespmem:s9], [sflag:$0x2], $0x80, v4, vm0, $0xb8;
	[tilespmem:$0x10100] =	vst v63  }
0xa6: {  	v3 =	vperm.xlane v3, v2  }
0xa7: {  	[hbm4b:s4+s2] =	stream.indirect_vreg.scatter [tilespmem:s10], [sflag:$0x2], $0x80, v4, vm0, $0xb8;
	[tilespmem:$0x10100] =	vst v63  }
0xa8: {  	v3 =	vadd.s32 v1, v3  }
0xa9: {  	[hbm4b:s5+s2] =	stream.indirect_vreg.scatter [tilespmem:s11], [sflag:$0x2], $0x80, v4, vm0, $0xb8;
	[tilespmem:$0x10100] =	vst v63  }
0xaa: {  	_ = 	snop  }
0xab: {  	[hbm4b:s6+s2] =	stream.indirect_vreg.scatter [tilespmem:s12], [sflag:$0x2], $0x80, v4, vm0, $0xb8;
	[tilespmem:$0x10100] =	vst v63  }
0xac: {  	_ = 	snop  }
0xad: {  	[hbm4b:s3+s2] =	stream.indirect_vreg.scatter [tilespmem:s13], [sflag:$0x2], $0x80, v3, vm0, $0xb8;
	[tilespmem:$0x10100] =	vst v63  }
0xae: {  	_ = 	snop  }
0xaf: {  	[hbm4b:s4+s2] =	stream.indirect_vreg.scatter [tilespmem:s14], [sflag:$0x2], $0x80, v3, vm0, $0xb8;
	[tilespmem:$0x10100] =	vst v63  }
0xb0: {  	_ = 	snop  }
0xb1: {  	[hbm4b:s5+s2] =	stream.indirect_vreg.scatter [tilespmem:s15], [sflag:$0x2], $0x80, v3, vm0, $0xb8;
	[tilespmem:$0x10100] =	vst v63  }
0xb2: {  	_ = 	snop  }
0xb3: {  	[hbm4b:s6+s2] =	stream.indirect_vreg.scatter [tilespmem:s16], [sflag:$0x2], $0x80, v3, vm0, $0xb8;
	[tilespmem:$0x10100] =	vst v63  }
0xb4: {  	v3 =	vld [tilespmem:$0x100B0];
	_ =	sdelay $0x4  }
0xb5: {  	v63 =	vshll.u32 v3, $0x3  }
0xb6: {  	v3 =	vand.u32 $0x7, v3;
	v4 =	vand.u32 $0xFFFFFFC0, v63  }
0xb7: {  	v3 =	vor.u32 v3, v4  }
0xb8: {  	v4 =	vperm.xlane v3, v0;
	_ =	sdelay $0x1  }
0xb9: {  	v4 =	vadd.s32 v1, v4;
	_ =	sdelay $0x4  }
0xba: {  	[hbm4b:s3+s2] =	stream.indirect_vreg.scatter [tilespmem:s17], [sflag:$0x2], $0x80, v4, vm0, $0xb8;
	[tilespmem:$0x10100] =	vst v63  }
0xbb: {  	s19 =	simm.s32 $0xC800;
	v3 =	vperm.xlane v3, v2  }
0xbc: {  	[hbm4b:s4+s2] =	stream.indirect_vreg.scatter [tilespmem:s19], [sflag:$0x2], $0x80, v4, vm0, $0xb8;
	[tilespmem:$0x10100] =	vst v63  }
0xbd: {  	s18 =	simm.s32 $0xD000;
	v3 =	vadd.s32 v1, v3  }
0xbe: {  	[hbm4b:s5+s2] =	stream.indirect_vreg.scatter [tilespmem:s18], [sflag:$0x2], $0x80, v4, vm0, $0xb8;
	[tilespmem:$0x10100] =	vst v63  }
0xbf: {  	s19 =	simm.s32 $0xD800  }
0xc0: {  	[hbm4b:s6+s2] =	stream.indirect_vreg.scatter [tilespmem:s19], [sflag:$0x2], $0x80, v4, vm0, $0xb8;
	[tilespmem:$0x10100] =	vst v63  }
0xc1: {  	s18 =	simm.s32 $0xE000  }
0xc2: {  	[hbm4b:s3+s2] =	stream.indirect_vreg.scatter [tilespmem:s18], [sflag:$0x2], $0x80, v3, vm0, $0xb8;
	[tilespmem:$0x10100] =	vst v63  }
0xc3: {  	s19 =	simm.s32 $0xE800  }
0xc4: {  	[hbm4b:s4+s2] =	stream.indirect_vreg.scatter [tilespmem:s19], [sflag:$0x2], $0x80, v3, vm0, $0xb8;
	[tilespmem:$0x10100] =	vst v63  }
0xc5: {  	s18 =	simm.s32 $0xF000  }
0xc6: {  	[hbm4b:s5+s2] =	stream.indirect_vreg.scatter [tilespmem:s18], [sflag:$0x2], $0x80, v3, vm0, $0xb8;
	[tilespmem:$0x10100] =	vst v63  }
0xc7: {  	s19 =	simm.s32 $0xF800;
	s18 =	simm.s32 $0x1  }
0xc8: {  	[hbm4b:s6+s2] =	stream.indirect_vreg.scatter [tilespmem:s19], [sflag:$0x2], $0x80, v3, vm0, $0xb8;
	[tilespmem:$0x10100] =	vst v63  }
0xc9: {  	p0 =	sne.s32 s7, $0x1;
	_ =	swait.ge [sflag:s18], $0x10000  }
.Ltmp0:
0xca: {  	[sflag:s18] =	ssyncset.done $0x0;
	(pc) =	sbr.rel @p0 .LBB2_1-.Ltmp0, $4  }
0xcb: {  	s19 =	simm.s32 $0x2;
	[sflag:s18] =	ssyncadd.s32 $0xFFFF0000  }
0xcc: {  	_ =	swait.ge [sflag:s19], $0x10000  }
0xcd: {  	[sflag:s19] =	ssyncset.done $0x0  }
0xce: {  	s7 =	sadd.s32 $0xFFFFFFFF, s7;
	[sflag:s19] =	ssyncadd.s32 $0xFFFF0000  }
0xcf: {  	_ =	sfence.sel $0x180000  }
0xd0: {  	[bflag:$0x0] =	sbarrier.arrive $0xFFFF  }
0xd1: {  	_ =	strace $0x90000047  }
0xd2: {  	s0 =	stileid.u32;
	[bflag:$0x2] =	sbarrier.arrive $0xFFFF  }
0xd3: {  	p0 =	sne.s32 s0, $0x0;
	s0 =	rddreg [dreg:$0x2]  }
0xd4: {  	s0 =	sadd.s32 @!p0 $0x100000, s0  }
0xd5: {  	[sflag:s0] =	ssyncadd.tile.s32 @!p0 $0x1;
	_ =	shalt  }
.Lfunc_end2:
_tile_overlayer_lowered:
.L_overlay_start_2:
0xd6: {  	(tag) =	ssettag $0x2  }
0xd7: {  	s0 =	rddreg [dreg:$0x0];
	s2 =	stileid.u32  }
0xd8: {  	s1 =	rddreg [dreg:$0x1];
	p0 =	sne.s32 s2, $0x0  }
0xd9: {  	s3 =	rddreg [dreg:$0x2];
	[bflag:$0x3] =	sbarrier.arrive $0xFFFF;
	s2 =	simm.s32 @!p0 $0x1C03  }
0xda: {  	[timem:s3], [sflag:s2] =	dma.local @!p0 [hbm:s0], s1  }
0xdb: {  	s0 =	simm.s32 @!p0 $0x3  }
0xdc: {  	_ =	swait.ge @!p0 [sflag:s0], s1  }
0xdd: {  	s1 =	ssub.s32 @!p0 $0x0, s1;
	[sflag:s0] =	ssyncset.done @!p0 $0x0  }
0xde: {  	[sflag:s0] =	ssyncadd.s32 @!p0 s1  }
0xdf: {  	[bflag:$0x3] =	sbarrier.arrive $0xFFFF  }
0xe0: {  	_ =	shalt  }

</sc_bundles>
